<compile_context>
chip_gen: v7x
topology: tpu7x:2x2x1
jax: 0.10.2.dev20260603
libtpu: 0.0.44.dev20260713+nightly
codegen_flags: <defaults>
</compile_context>

<pallas_src>
import functools

import numpy as np
import jax
import jax.numpy as jnp
from jax import lax
from jax.experimental import pallas as pl
from jax.experimental.pallas import tpu as pltpu
from jax.experimental.pallas import tpu_sc as plsc

_N_WIDTH = 256
_N_ORDER = 8
_N_ELEMENTS = 64
_N_NODES = _N_ELEMENTS * _N_ORDER + 1
_N_COLL = 100
_DELTA_X = 0.5 * _N_ORDER / (_N_NODES - 1)
_NODES = np.linspace(-1.0, 1.0, _N_ORDER + 1)
_NB = _N_ORDER + 1

_N_WORKERS = 32
_N_ITEMS = _N_COLL
_ITEMS_PER_W = 4
_TC_BLK = 20


def _inv_table():
    v = np.zeros((16, _NB), np.float32)
    for j in range(_NB):
        for m in range(_NB):
            if j != m:
                v[j, m] = 1.0 / (_NODES[j] - _NODES[m])
    return v


_INV_TABLE = _inv_table()


def _omit_one_products(fs):
    n = len(fs)
    pre = [None] * n
    suf = [None] * n
    acc = None
    for i in range(n):
        pre[i] = acc
        acc = fs[i] if acc is None else acc * fs[i]
    acc = None
    for i in range(n - 1, -1, -1):
        suf[i] = acc
        acc = fs[i] if acc is None else acc * fs[i]
    out = []
    for i in range(n):
        if pre[i] is None:
            out.append(suf[i])
        elif suf[i] is None:
            out.append(pre[i])
        else:
            out.append(pre[i] * suf[i])
    return out


def _basis_rows(x_t, inv_tab):
    j2 = jax.lax.broadcasted_iota(jnp.int32, (16, _N_WIDTH), 0)
    xb = jnp.broadcast_to(x_t, (16, _N_WIDTH)).astype(jnp.float32)
    f = []
    cs = [inv_tab[:, m : m + 1] for m in range(_NB)]
    for m in range(_NB):
        f.append(jnp.where(j2 == m, 1.0, (xb - np.float32(_NODES[m])) * cs[m]))

    phi = f[0]
    for m in range(1, _NB):
        phi = phi * f[m]

    p1 = _omit_one_products(f)
    dphi = cs[0] * p1[0]
    for i in range(1, _NB):
        dphi = dphi + cs[i] * p1[i]

    ddphi = None
    for i in range(_NB):
        idxs = [m for m in range(_NB) if m != i]
        q = _omit_one_products([f[m] for m in idxs])
        inner = None
        for pos, m in enumerate(idxs):
            term = cs[m] * q[pos]
            inner = term if inner is None else inner + term
        term = cs[i] * inner
        ddphi = term if ddphi is None else ddphi + term

    dphi = dphi * np.float32(1.0 / _DELTA_X)
    ddphi = ddphi * np.float32(1.0 / (_DELTA_X * _DELTA_X))
    return phi, dphi, ddphi




def _rows_body(x_ref, wt_ref, inv_ref, rb0_o, rb1_o, rb2_o, t_r, dt_r, ddt_r):
    xs = x_ref[...]
    x_shift = (_N_NODES - 1.0) * xs
    id_el = jnp.clip(jnp.floor(x_shift / _N_ORDER), 0.0, _N_ELEMENTS - 1.0)
    nl_f = id_el * _N_ORDER
    x_t = (x_shift - nl_f - 0.5 * _N_ORDER) / (0.5 * _N_ORDER)
    phi, dphi, ddphi = _basis_rows(x_t, inv_ref[...])

    nl_row = nl_f.astype(jnp.int32)
    rel = (
        jax.lax.broadcasted_iota(jnp.int32, (_N_NODES, _N_WIDTH), 0) - nl_row
    )

    bases = (phi, dphi, ddphi)
    dense = [jnp.zeros((_N_NODES, _N_WIDTH), jnp.float32) for _ in range(3)]
    for j in range(_NB):
        mask = rel == j
        for b in range(3):
            dense[b] = jnp.where(mask, bases[b][j : j + 1, :], dense[b])

    rb0_o[...] = dense[0][None]
    rb1_o[...] = dense[1][None]
    rb2_o[...] = dense[2][None]

    wt = wt_ref[...]
    for d, tr in zip(dense, (t_r, dt_r, ddt_r)):
        tr[...] = jnp.sum(wt * d, axis=0, keepdims=True)


_rowT = jax.ShapeDtypeStruct((1, _N_NODES, _N_WIDTH), jnp.float32)
_vec = jax.ShapeDtypeStruct((1, _N_WIDTH), jnp.float32)
_bigT = jax.ShapeDtypeStruct((_N_COLL, _N_NODES, _N_WIDTH), jnp.float32)

_rows_call = pl.pallas_call(
    _rows_body,
    in_specs=[
        pl.BlockSpec((1, _N_WIDTH), lambda: (0, 0)),
        pl.BlockSpec((_N_NODES, _N_WIDTH), lambda: (0, 0)),
        pl.BlockSpec((16, _NB), lambda: (0, 0)),
    ],
    out_specs=[
        pl.BlockSpec((1, _N_NODES, _N_WIDTH), lambda: (0, 0, 0)),
        pl.BlockSpec((1, _N_NODES, _N_WIDTH), lambda: (0, 0, 0)),
        pl.BlockSpec((1, _N_NODES, _N_WIDTH), lambda: (0, 0, 0)),
        pl.BlockSpec((1, _N_WIDTH), lambda: (0, 0)),
        pl.BlockSpec((1, _N_WIDTH), lambda: (0, 0)),
        pl.BlockSpec((1, _N_WIDTH), lambda: (0, 0)),
    ],
    out_shape=[_rowT, _rowT, _rowT, _vec, _vec, _vec],
)




def _sc_fill_body(samp_hbm, zeros_hbm, rb2_hbm,
                  ddphi_o, dummy_o, zsh, rsh, svm, sem, sem_q):
    wid = lax.axis_index("s") * 2 + lax.axis_index("c")
    sid = lax.axis_index("s")

    @pl.when(sid == 0)
    def _():
        pltpu.sync_copy(zeros_hbm, zsh)

    plsc.subcore_barrier()

    pltpu.sync_copy(samp_hbm, svm)
    s = svm[...][0]

    for n in range(_ITEMS_PER_W):
        face = wid + _N_WORKERS * n
        real = (face < _N_ITEMS) & (face != s)

        @pl.when(real)
        def _(face=face):
            pltpu.make_async_copy(zsh, ddphi_o.at[pl.ds(face, 1)], sem).start()

        @pl.when((face >= _N_ITEMS) | (face == s))
        def _():
            pltpu.make_async_copy(zsh, dummy_o, sem).start()

    for n in range(_ITEMS_PER_W):
        pltpu.make_async_copy(zsh, dummy_o, sem).wait()

    plsc.subcore_barrier()

    @pl.when(wid == 1)
    def _():
        pltpu.sync_copy(rb2_hbm, rsh)
        cp = pltpu.make_async_copy(rsh, ddphi_o.at[pl.ds(s, 1)], sem_q)
        cp.start()
        cp.wait()


_sc_fill_call = functools.partial(
    pl.kernel,
    mesh=plsc.VectorSubcoreMesh(
        core_axis_name="c", subcore_axis_name="s", num_cores=2, num_subcores=16
    ),
    out_type=[
        _bigT,
        jax.ShapeDtypeStruct((1, _N_NODES, _N_WIDTH), jnp.float32),
    ],
    scratch_types=[
        pltpu.VMEM_SHARED((1, _N_NODES, _N_WIDTH), jnp.float32),
        pltpu.VMEM_SHARED((1, _N_NODES, _N_WIDTH), jnp.float32),
        pltpu.VMEM((16,), jnp.int32),
        pltpu.SemaphoreType.DMA,
        pltpu.SemaphoreType.DMA,
    ],
)(_sc_fill_body)




def _tc_phi_body(s_ref, rb0_ref, rb1_ref, phi_o, dphi_o, zblk, sem_z, sem_z2,
                 sem_r):
    zblk[...] = jnp.zeros((_TC_BLK, _N_NODES, _N_WIDTH), jnp.float32)
    n_blocks = _N_COLL // _TC_BLK
    pairs = ((phi_o, sem_z), (dphi_o, sem_z2))
    for i in range(n_blocks):
        for o, sm in pairs:
            pltpu.make_async_copy(
                zblk, o.at[pl.ds(i * _TC_BLK, _TC_BLK)], sm
            ).start()
    for i in range(n_blocks):
        for o, sm in pairs:
            pltpu.make_async_copy(
                zblk, o.at[pl.ds(i * _TC_BLK, _TC_BLK)], sm
            ).wait()
    s = s_ref[0]
    for rb, o in zip((rb0_ref, rb1_ref), (phi_o, dphi_o)):
        pltpu.make_async_copy(rb, o.at[pl.ds(s, 1)], sem_r).start()
    for rb, o in zip((rb0_ref, rb1_ref), (phi_o, dphi_o)):
        pltpu.make_async_copy(rb, o.at[pl.ds(s, 1)], sem_r).wait()


_tc_phi_call = pl.pallas_call(
    _tc_phi_body,
    in_specs=[
        pl.BlockSpec(memory_space=pltpu.SMEM),
        pl.BlockSpec((1, _N_NODES, _N_WIDTH), lambda: (0, 0, 0)),
        pl.BlockSpec((1, _N_NODES, _N_WIDTH), lambda: (0, 0, 0)),
    ],
    out_specs=[
        pl.BlockSpec(memory_space=pltpu.MemorySpace.HBM),
        pl.BlockSpec(memory_space=pltpu.MemorySpace.HBM),
    ],
    out_shape=[_bigT, _bigT],
    scratch_shapes=[
        pltpu.VMEM((_TC_BLK, _N_NODES, _N_WIDTH), jnp.float32),
        pltpu.SemaphoreType.DMA,
        pltpu.SemaphoreType.DMA,
        pltpu.SemaphoreType.DMA,
    ],
)


def kernel(x, epoch, sample, weight):
    del epoch
    s = jnp.asarray(sample, jnp.int32).reshape((1,))
    samp = jnp.full((16,), sample, jnp.int32)
    wt = jnp.transpose(weight)
    zrow = jnp.zeros((1, _N_NODES, _N_WIDTH), jnp.float32)
    rb0, rb1, rb2, t, dt, ddt = _rows_call(x, wt, jnp.asarray(_INV_TABLE))
    ddphi_t, _ = _sc_fill_call(samp, zrow, rb2)
    phi_t, dphi_t = _tc_phi_call(s, rb0, rb1)
    phi_buf = jnp.transpose(phi_t, (0, 2, 1))
    dphi_buf = jnp.transpose(dphi_t, (0, 2, 1))
    ddphi_buf = jnp.transpose(ddphi_t, (0, 2, 1))
    return (t, dt, ddt, phi_buf, dphi_buf, ddphi_buf, jnp.float32(_DELTA_X))

# --- scband reference (transcript-rebuilt; emitter-appended) ---
"""Pipeline reference for scband-lagrange-kanninner-4578435137545 (READ-ONLY COPY).

The authoritative reference and input builder live on the scoring server;
editing this copy changes nothing except your own understanding.
"""

import jax, jax.numpy as jnp
import numpy as np

N_WIDTH = 256
N_ORDER = 8
N_ELEMENTS = 64
N_NODES = N_ELEMENTS * N_ORDER + 1
N_COLLOCATION = 100
X_MIN = 0.0
X_MAX = 1.0


def lagrange(x, n_order):
    nodes = np.linspace(-1.0, 1.0, n_order + 1)
    ps = []
    for j in range(n_order + 1):
        p = jnp.ones_like(x)
        for m in range(n_order + 1):
            if j != m:
                p = p * (x - nodes[m]) / (nodes[j] - nodes[m])
        ps.append(p)
    return jnp.stack(ps, axis=-1)


def dlagrange(x, n_order):
    nodes = np.linspace(-1.0, 1.0, n_order + 1)
    dps = []
    for j in range(n_order + 1):
        y = jnp.zeros_like(x)
        for i in range(n_order + 1):
            if i != j:
                k = jnp.ones_like(x) / (nodes[j] - nodes[i])
                for m in range(n_order + 1):
                    if m != i and m != j:
                        k = k * (x - nodes[m]) / (nodes[j] - nodes[m])
                y = y + k
        dps.append(y)
    return jnp.stack(dps, axis=-1)


def ddlagrange(x, n_order):
    nodes = np.linspace(-1.0, 1.0, n_order + 1)
    ddps = []
    for j in range(n_order + 1):
        y = jnp.zeros_like(x)
        for i in range(n_order + 1):
            if i != j:
                k_sum = jnp.zeros_like(x)
                for m in range(n_order + 1):
                    if m != i and m != j:
                        k_prod = jnp.ones_like(x) / (nodes[j] - nodes[m])
                        for n in range(n_order + 1):
                            if n != i and n != j and n != m:
                                k_prod = k_prod * (x - nodes[n]) / (nodes[j] - nodes[n])
                        k_sum = k_sum + k_prod
                y = y + (1.0 / (nodes[j] - nodes[i])) * k_sum
        ddps.append(y)
    return jnp.stack(ddps, axis=-1)


def setup_inputs(seed: int = 0) -> dict:
    key = jax.random.key(seed)
    k1, k2 = jax.random.split(key)
    x = jax.random.uniform(k1, (1, N_WIDTH), dtype=jnp.float32)
    weight = jax.random.normal(k2, (N_WIDTH, N_NODES), dtype=jnp.float32) * 0.02
    return {"x": x, "epoch": 0, "sample": 0, "weight": weight}


def reference(x, epoch, sample, weight):
    # to_shift
    x_shift = (N_NODES - 1) * (x - X_MIN) / (X_MAX - X_MIN)
    id_element = jnp.floor(x_shift / N_ORDER)
    id_element = jnp.clip(id_element, 0.0, N_ELEMENTS - 1)
    nodes_in_l = (id_element * N_ORDER).astype(jnp.int32)
    nodes_in_r = nodes_in_l + N_ORDER
    nl = nodes_in_l.astype(jnp.float32)
    nr = nodes_in_r.astype(jnp.float32)
    # to_ref
    x_t = (x_shift - 0.5 * (nl + nr)) / (0.5 * (nr - nl))
    delta_x = 0.5 * N_ORDER * (X_MAX - X_MIN) / (N_NODES - 1)
    phi_l = lagrange(x_t, N_ORDER)
    dphi_l = dlagrange(x_t, N_ORDER) / delta_x
    ddphi_l = ddlagrange(x_t, N_ORDER) / (delta_x ** 2)
    # scatter into collocation buffers (epoch == 0 branch)
    layer_idx = jnp.arange(N_WIDTH)[:, None]
    node_idx = nodes_in_l[0][:, None] + jnp.arange(N_ORDER + 1)[None, :]
    zeros_buf = jnp.zeros((N_COLLOCATION, N_WIDTH, N_NODES), dtype=jnp.float32)
    phi_buf = zeros_buf.at[sample, layer_idx, node_idx].set(phi_l[0])
    dphi_buf = zeros_buf.at[sample, layer_idx, node_idx].set(dphi_l[0])
    ddphi_buf = zeros_buf.at[sample, layer_idx, node_idx].set(ddphi_l[0])
    phi_cut = jax.lax.dynamic_slice_in_dim(phi_buf, sample, 1, axis=0)
    dphi_cut = jax.lax.dynamic_slice_in_dim(dphi_buf, sample, 1, axis=0)
    ddphi_cut = jax.lax.dynamic_slice_in_dim(ddphi_buf, sample, 1, axis=0)
    t_ik = jnp.einsum('kp,ikp->ik', weight, phi_cut)
    dt_ik = jnp.einsum('kp,ikp->ik', weight, dphi_cut)
    ddt_ik = jnp.einsum('kp,ikp->ik', weight, ddphi_cut)
    return (t_ik, dt_ik, ddt_ik, phi_buf, dphi_buf, ddphi_buf, jnp.float32(delta_x))

if __name__ == "__main__":
    import jax
    _d = setup_inputs()
    print(jax.jit(kernel)(*tuple(_d.values())))

</pallas_src>

<mosaic_0001>
#map = affine_map<(d0, d1) -> (0)>
#map1 = affine_map<(d0, d1) -> (0, 0, 0)>
module attributes {stable_mosaic.version = 14 : i64} {
  func.func @_sc_fill_body(%arg0: i32, %arg1: i32, %arg2: memref<16xi32, #tpu.memory_space<hbm>>, %arg3: memref<1x513x256xf32, #tpu.memory_space<hbm>>, %arg4: memref<1x513x256xf32, #tpu.memory_space<hbm>>, %arg5: memref<100x513x256xf32, #tpu.memory_space<hbm>>, %arg6: memref<1x513x256xf32, #tpu.memory_space<hbm>>, %arg7: memref<1x513x256xf32, #tpu.memory_space<vmem_shared>>, %arg8: memref<1x513x256xf32, #tpu.memory_space<vmem_shared>>, %arg9: memref<16xi32, #tpu.memory_space<vmem>>, %arg10: memref<!tpu.dma_semaphore, #tpu.memory_space<semaphore_mem>>, %arg11: memref<!tpu.dma_semaphore, #tpu.memory_space<semaphore_mem>>) attributes {dimension_semantics = [#tpu.dimension_semantics<core_parallel>, #tpu.dimension_semantics<subcore_parallel>], iteration_bounds = array<i64: 2, 16>, scalar_prefetch = 0 : i64, scratch_operands = 5 : i64, tpu.core_type = #tpu.core_type<sc_vector_subcore>, window_params = [{transform_indices = #map}, {transform_indices = #map1}, {transform_indices = #map1}, {transform_indices = #map1}, {transform_indices = #map1}]} {
    %mul3A = arith.constant 2 : i32
    %mul3A_0 = arith.muli %arg1, %mul3A : i32
    %add3A = arith.addi %mul3A_0, %arg0 : i32
    %eq3A = arith.constant 0 : i32
    %eq3A_1 = arith.cmpi eq, %arg1, %eq3A : i32
    %convert_element_type3A = arith.extui %eq3A_1 : i1 to i32
    %cond3A = arith.constant 0 : i32
    %cond3A_2 = arith.cmpi ne, %convert_element_type3A, %cond3A : i32
    scf.if %cond3A_2 {
      "tpu.region"() ({
        %run_scoped3A = tpu.sem_alloc : memref<!tpu.dma_semaphore, #tpu.memory_space<semaphore_mem>>
        tpu.enqueue_dma source(%arg3 : memref<1x513x256xf32, #tpu.memory_space<hbm>>) target(%arg7 : memref<1x513x256xf32, #tpu.memory_space<vmem_shared>>) target_semaphore(%run_scoped3A : memref<!tpu.dma_semaphore, #tpu.memory_space<semaphore_mem>>)
        tpu.wait_dma2 semaphore(%run_scoped3A : memref<!tpu.dma_semaphore, #tpu.memory_space<semaphore_mem>>) src(%arg3 : memref<1x513x256xf32, #tpu.memory_space<hbm>>) dst(%arg7 : memref<1x513x256xf32, #tpu.memory_space<vmem_shared>>)
        tpu.yield
      }) : () -> ()
    } else {
    }
    %barrier3A = arith.constant 0 : index
    tpu.barrier barrier_id(%barrier3A)
    "tpu.region"() ({
      %run_scoped3A = tpu.sem_alloc : memref<!tpu.dma_semaphore, #tpu.memory_space<semaphore_mem>>
      tpu.enqueue_dma source(%arg2 : memref<16xi32, #tpu.memory_space<hbm>>) target(%arg9 : memref<16xi32, #tpu.memory_space<vmem>>) target_semaphore(%run_scoped3A : memref<!tpu.dma_semaphore, #tpu.memory_space<semaphore_mem>>)
      tpu.wait_dma2 semaphore(%run_scoped3A : memref<!tpu.dma_semaphore, #tpu.memory_space<semaphore_mem>>) src(%arg2 : memref<16xi32, #tpu.memory_space<hbm>>) dst(%arg9 : memref<16xi32, #tpu.memory_space<vmem>>)
      tpu.yield
    }) : () -> ()
    %get3A = arith.constant 0 : index
    %get3A_3 = tpu.vector_load %arg9[%get3A] {strides = array<i32>} : memref<16xi32, #tpu.memory_space<vmem>>, vector<16xi32>,
    %get3A_4 = vector.shape_cast %get3A_3 : vector<16xi32> to vector<16xi32>
    %slice3A = vector.extract_strided_slice %get3A_4 {offsets = [0], sizes = [1], strides = [1]} : vector<16xi32> to vector<1xi32>
    %squeeze3A = vector.extract %slice3A[0] : i32 from vector<1xi32>
    %add3A_5 = arith.constant 0 : i32
    %add3A_6 = arith.addi %add3A, %add3A_5 : i32
    %lt3A = arith.constant 100 : i32
    %lt3A_7 = arith.cmpi slt, %add3A_6, %lt3A : i32
    %ne3A = arith.cmpi ne, %add3A_6, %squeeze3A : i32
    %and3A = arith.andi %lt3A_7, %ne3A : i1
    %convert_element_type3A_8 = arith.extui %and3A : i1 to i32
    %cond3A_9 = arith.constant 0 : i32
    %cond3A_10 = arith.cmpi ne, %convert_element_type3A_8, %cond3A_9 : i32
    scf.if %cond3A_10 {
      %dma_start3A = arith.constant 0 : i32
      %dma_start3A_70 = arith.constant 0 : i32
      %dma_start3A_71 = tpu.memref_slice %arg5[%add3A_6, %dma_start3A, %dma_start3A_70] : memref<100x513x256xf32, #tpu.memory_space<hbm>> -> memref<1x513x256xf32, #tpu.memory_space<hbm>>
      tpu.enqueue_dma source(%arg7 : memref<1x513x256xf32, #tpu.memory_space<vmem_shared>>) target(%dma_start3A_71 : memref<1x513x256xf32, #tpu.memory_space<hbm>>) target_semaphore(%arg10 : memref<!tpu.dma_semaphore, #tpu.memory_space<semaphore_mem>>)
    } else {
    }
    %ge3A = arith.constant 100 : i32
    %ge3A_11 = arith.cmpi sge, %add3A_6, %ge3A : i32
    %eq3A_12 = arith.cmpi eq, %add3A_6, %squeeze3A : i32
    %or3A = arith.ori %ge3A_11, %eq3A_12 : i1
    %convert_element_type3A_13 = arith.extui %or3A : i1 to i32
    %cond3A_14 = arith.constant 0 : i32
    %cond3A_15 = arith.cmpi ne, %convert_element_type3A_13, %cond3A_14 : i32
    scf.if %cond3A_15 {
      tpu.enqueue_dma source(%arg7 : memref<1x513x256xf32, #tpu.memory_space<vmem_shared>>) target(%arg6 : memref<1x513x256xf32, #tpu.memory_space<hbm>>) target_semaphore(%arg10 : memref<!tpu.dma_semaphore, #tpu.memory_space<semaphore_mem>>)
    } else {
    }
    %add3A_16 = arith.constant 32 : i32
    %add3A_17 = arith.addi %add3A, %add3A_16 : i32
    %lt3A_18 = arith.constant 100 : i32
    %lt3A_19 = arith.cmpi slt, %add3A_17, %lt3A_18 : i32
    %ne3A_20 = arith.cmpi ne, %add3A_17, %squeeze3A : i32
    %and3A_21 = arith.andi %lt3A_19, %ne3A_20 : i1
    %convert_element_type3A_22 = arith.extui %and3A_21 : i1 to i32
    %cond3A_23 = arith.constant 0 : i32
    %cond3A_24 = arith.cmpi ne, %convert_element_type3A_22, %cond3A_23 : i32
    scf.if %cond3A_24 {
      %dma_start3A = arith.constant 0 : i32
      %dma_start3A_70 = arith.constant 0 : i32
      %dma_start3A_71 = tpu.memref_slice %arg5[%add3A_17, %dma_start3A, %dma_start3A_70] : memref<100x513x256xf32, #tpu.memory_space<hbm>> -> memref<1x513x256xf32, #tpu.memory_space<hbm>>
      tpu.enqueue_dma source(%arg7 : memref<1x513x256xf32, #tpu.memory_space<vmem_shared>>) target(%dma_start3A_71 : memref<1x513x256xf32, #tpu.memory_space<hbm>>) target_semaphore(%arg10 : memref<!tpu.dma_semaphore, #tpu.memory_space<semaphore_mem>>)
    } else {
    }
    %ge3A_25 = arith.constant 100 : i32
    %ge3A_26 = arith.cmpi sge, %add3A_17, %ge3A_25 : i32
    %eq3A_27 = arith.cmpi eq, %add3A_17, %squeeze3A : i32
    %or3A_28 = arith.ori %ge3A_26, %eq3A_27 : i1
    %convert_element_type3A_29 = arith.extui %or3A_28 : i1 to i32
    %cond3A_30 = arith.constant 0 : i32
    %cond3A_31 = arith.cmpi ne, %convert_element_type3A_29, %cond3A_30 : i32
    scf.if %cond3A_31 {
      tpu.enqueue_dma source(%arg7 : memref<1x513x256xf32, #tpu.memory_space<vmem_shared>>) target(%arg6 : memref<1x513x256xf32, #tpu.memory_space<hbm>>) target_semaphore(%arg10 : memref<!tpu.dma_semaphore, #tpu.memory_space<semaphore_mem>>)
    } else {
    }
    %add3A_32 = arith.constant 64 : i32
    %add3A_33 = arith.addi %add3A, %add3A_32 : i32
    %lt3A_34 = arith.constant 100 : i32
    %lt3A_35 = arith.cmpi slt, %add3A_33, %lt3A_34 : i32
    %ne3A_36 = arith.cmpi ne, %add3A_33, %squeeze3A : i32
    %and3A_37 = arith.andi %lt3A_35, %ne3A_36 : i1
    %convert_element_type3A_38 = arith.extui %and3A_37 : i1 to i32
    %cond3A_39 = arith.constant 0 : i32
    %cond3A_40 = arith.cmpi ne, %convert_element_type3A_38, %cond3A_39 : i32
    scf.if %cond3A_40 {
      %dma_start3A = arith.constant 0 : i32
      %dma_start3A_70 = arith.constant 0 : i32
      %dma_start3A_71 = tpu.memref_slice %arg5[%add3A_33, %dma_start3A, %dma_start3A_70] : memref<100x513x256xf32, #tpu.memory_space<hbm>> -> memref<1x513x256xf32, #tpu.memory_space<hbm>>
      tpu.enqueue_dma source(%arg7 : memref<1x513x256xf32, #tpu.memory_space<vmem_shared>>) target(%dma_start3A_71 : memref<1x513x256xf32, #tpu.memory_space<hbm>>) target_semaphore(%arg10 : memref<!tpu.dma_semaphore, #tpu.memory_space<semaphore_mem>>)
    } else {
    }
    %ge3A_41 = arith.constant 100 : i32
    %ge3A_42 = arith.cmpi sge, %add3A_33, %ge3A_41 : i32
    %eq3A_43 = arith.cmpi eq, %add3A_33, %squeeze3A : i32
    %or3A_44 = arith.ori %ge3A_42, %eq3A_43 : i1
    %convert_element_type3A_45 = arith.extui %or3A_44 : i1 to i32
    %cond3A_46 = arith.constant 0 : i32
    %cond3A_47 = arith.cmpi ne, %convert_element_type3A_45, %cond3A_46 : i32
    scf.if %cond3A_47 {
      tpu.enqueue_dma source(%arg7 : memref<1x513x256xf32, #tpu.memory_space<vmem_shared>>) target(%arg6 : memref<1x513x256xf32, #tpu.memory_space<hbm>>) target_semaphore(%arg10 : memref<!tpu.dma_semaphore, #tpu.memory_space<semaphore_mem>>)
    } else {
    }
    %add3A_48 = arith.constant 96 : i32
    %add3A_49 = arith.addi %add3A, %add3A_48 : i32
    %lt3A_50 = arith.constant 100 : i32
    %lt3A_51 = arith.cmpi slt, %add3A_49, %lt3A_50 : i32
    %ne3A_52 = arith.cmpi ne, %add3A_49, %squeeze3A : i32
    %and3A_53 = arith.andi %lt3A_51, %ne3A_52 : i1
    %convert_element_type3A_54 = arith.extui %and3A_53 : i1 to i32
    %cond3A_55 = arith.constant 0 : i32
    %cond3A_56 = arith.cmpi ne, %convert_element_type3A_54, %cond3A_55 : i32
    scf.if %cond3A_56 {
      %dma_start3A = arith.constant 0 : i32
      %dma_start3A_70 = arith.constant 0 : i32
      %dma_start3A_71 = tpu.memref_slice %arg5[%add3A_49, %dma_start3A, %dma_start3A_70] : memref<100x513x256xf32, #tpu.memory_space<hbm>> -> memref<1x513x256xf32, #tpu.memory_space<hbm>>
      tpu.enqueue_dma source(%arg7 : memref<1x513x256xf32, #tpu.memory_space<vmem_shared>>) target(%dma_start3A_71 : memref<1x513x256xf32, #tpu.memory_space<hbm>>) target_semaphore(%arg10 : memref<!tpu.dma_semaphore, #tpu.memory_space<semaphore_mem>>)
    } else {
    }
    %ge3A_57 = arith.constant 100 : i32
    %ge3A_58 = arith.cmpi sge, %add3A_49, %ge3A_57 : i32
    %eq3A_59 = arith.cmpi eq, %add3A_49, %squeeze3A : i32
    %or3A_60 = arith.ori %ge3A_58, %eq3A_59 : i1
    %convert_element_type3A_61 = arith.extui %or3A_60 : i1 to i32
    %cond3A_62 = arith.constant 0 : i32
    %cond3A_63 = arith.cmpi ne, %convert_element_type3A_61, %cond3A_62 : i32
    scf.if %cond3A_63 {
      tpu.enqueue_dma source(%arg7 : memref<1x513x256xf32, #tpu.memory_space<vmem_shared>>) target(%arg6 : memref<1x513x256xf32, #tpu.memory_space<hbm>>) target_semaphore(%arg10 : memref<!tpu.dma_semaphore, #tpu.memory_space<semaphore_mem>>)
    } else {
    }
    tpu.wait_dma2 semaphore(%arg10 : memref<!tpu.dma_semaphore, #tpu.memory_space<semaphore_mem>>) src(%arg7 : memref<1x513x256xf32, #tpu.memory_space<vmem_shared>>) dst(%arg6 : memref<1x513x256xf32, #tpu.memory_space<hbm>>)
    tpu.wait_dma2 semaphore(%arg10 : memref<!tpu.dma_semaphore, #tpu.memory_space<semaphore_mem>>) src(%arg7 : memref<1x513x256xf32, #tpu.memory_space<vmem_shared>>) dst(%arg6 : memref<1x513x256xf32, #tpu.memory_space<hbm>>)
    tpu.wait_dma2 semaphore(%arg10 : memref<!tpu.dma_semaphore, #tpu.memory_space<semaphore_mem>>) src(%arg7 : memref<1x513x256xf32, #tpu.memory_space<vmem_shared>>) dst(%arg6 : memref<1x513x256xf32, #tpu.memory_space<hbm>>)
    tpu.wait_dma2 semaphore(%arg10 : memref<!tpu.dma_semaphore, #tpu.memory_space<semaphore_mem>>) src(%arg7 : memref<1x513x256xf32, #tpu.memory_space<vmem_shared>>) dst(%arg6 : memref<1x513x256xf32, #tpu.memory_space<hbm>>)
    %barrier3A_64 = arith.constant 0 : index
    tpu.barrier barrier_id(%barrier3A_64)
    %eq3A_65 = arith.constant 1 : i32
    %eq3A_66 = arith.cmpi eq, %add3A, %eq3A_65 : i32
    %convert_element_type3A_67 = arith.extui %eq3A_66 : i1 to i32
    %cond3A_68 = arith.constant 0 : i32
    %cond3A_69 = arith.cmpi ne, %convert_element_type3A_67, %cond3A_68 : i32
    scf.if %cond3A_69 {
      "tpu.region"() ({
        %run_scoped3A = tpu.sem_alloc : memref<!tpu.dma_semaphore, #tpu.memory_space<semaphore_mem>>
        tpu.enqueue_dma source(%arg4 : memref<1x513x256xf32, #tpu.memory_space<hbm>>) target(%arg8 : memref<1x513x256xf32, #tpu.memory_space<vmem_shared>>) target_semaphore(%run_scoped3A : memref<!tpu.dma_semaphore, #tpu.memory_space<semaphore_mem>>)
        tpu.wait_dma2 semaphore(%run_scoped3A : memref<!tpu.dma_semaphore, #tpu.memory_space<semaphore_mem>>) src(%arg4 : memref<1x513x256xf32, #tpu.memory_space<hbm>>) dst(%arg8 : memref<1x513x256xf32, #tpu.memory_space<vmem_shared>>)
        tpu.yield
      }) : () -> ()
      %dma_start3A = arith.constant 0 : i32
      %dma_start3A_70 = arith.constant 0 : i32
      %dma_start3A_71 = tpu.memref_slice %arg5[%squeeze3A, %dma_start3A, %dma_start3A_70] : memref<100x513x256xf32, #tpu.memory_space<hbm>> -> memref<1x513x256xf32, #tpu.memory_space<hbm>>
      tpu.enqueue_dma source(%arg8 : memref<1x513x256xf32, #tpu.memory_space<vmem_shared>>) target(%dma_start3A_71 : memref<1x513x256xf32, #tpu.memory_space<hbm>>) target_semaphore(%arg11 : memref<!tpu.dma_semaphore, #tpu.memory_space<semaphore_mem>>)
      %dma_wait3A = arith.constant 0 : i32
      %dma_wait3A_72 = arith.constant 0 : i32
      %dma_wait3A_73 = tpu.memref_slice %arg5[%squeeze3A, %dma_wait3A, %dma_wait3A_72] : memref<100x513x256xf32, #tpu.memory_space<hbm>> -> memref<1x513x256xf32, #tpu.memory_space<hbm>>
      tpu.wait_dma2 semaphore(%arg11 : memref<!tpu.dma_semaphore, #tpu.memory_space<semaphore_mem>>) src(%arg8 : memref<1x513x256xf32, #tpu.memory_space<vmem_shared>>) dst(%dma_wait3A_73 : memref<1x513x256xf32, #tpu.memory_space<hbm>>)
    } else {
    }
    return
  }
}

module attributes {stable_mosaic.version = 14 : i64} {
  func.func @_rows_body(%arg0: memref<1x256xf32, #tpu.memory_space<vmem>>, %arg1: memref<513x256xf32, #tpu.memory_space<vmem>>, %arg2: memref<16x9xf32, #tpu.memory_space<vmem>>, %arg3: memref<1x513x256xf32, #tpu.memory_space<vmem>>, %arg4: memref<1x513x256xf32, #tpu.memory_space<vmem>>, %arg5: memref<1x513x256xf32, #tpu.memory_space<vmem>>, %arg6: memref<1x256xf32, #tpu.memory_space<vmem>>, %arg7: memref<1x256xf32, #tpu.memory_space<vmem>>, %arg8: memref<1x256xf32, #tpu.memory_space<vmem>>) attributes {dimension_semantics = [], scalar_prefetch = 0 : i64, scratch_operands = 0 : i64, tpu.core_type = #tpu.core_type<tc>} {
    %get3A = arith.constant 0 : index
    %get3A_0 = arith.constant 0 : index
    %get3A_1 = vector.load %arg0[%get3A, %get3A_0] : memref<1x256xf32, #tpu.memory_space<vmem>>, vector<1x256xf32>
    %mul3A = arith.constant 5.120000e+02 : f32
    %mul3A_2 = vector.broadcast %mul3A : f32 to vector<1x256xf32>
    %mul3A_3 = arith.mulf %mul3A_2, %get3A_1 : vector<1x256xf32>
    %div3A = arith.constant 8.000000e+00 : f32
    %div3A_4 = vector.broadcast %div3A : f32 to vector<1x256xf32>
    %div3A_5 = arith.divf %mul3A_3, %div3A_4 : vector<1x256xf32>
    %floor3A = math.floor %div3A_5 : vector<1x256xf32>
    %jit3A = arith.constant 0.000000e+00 : f32
    %jit3A_6 = arith.constant 6.300000e+01 : f32
    %max3A = vector.broadcast %jit3A : f32 to vector<1x256xf32>
    %max3A_7 = arith.maximumf %max3A, %floor3A : vector<1x256xf32>
    %min3A = vector.broadcast %jit3A_6 : f32 to vector<1x256xf32>
    %min3A_8 = arith.minimumf %min3A, %max3A_7 : vector<1x256xf32>
    %mul3A_9 = arith.constant 8.000000e+00 : f32
    %mul3A_10 = vector.broadcast %mul3A_9 : f32 to vector<1x256xf32>
    %mul3A_11 = arith.mulf %min3A_8, %mul3A_10 : vector<1x256xf32>
    %sub3A = arith.subf %mul3A_3, %mul3A_11 : vector<1x256xf32>
    %sub3A_12 = arith.constant 4.000000e+00 : f32
    %sub3A_13 = vector.broadcast %sub3A_12 : f32 to vector<1x256xf32>
    %sub3A_14 = arith.subf %sub3A, %sub3A_13 : vector<1x256xf32>
    %div3A_15 = arith.constant 4.000000e+00 : f32
    %div3A_16 = vector.broadcast %div3A_15 : f32 to vector<1x256xf32>
    %div3A_17 = arith.divf %sub3A_14, %div3A_16 : vector<1x256xf32>
    %get3A_18 = arith.constant 0 : index
    %get3A_19 = arith.constant 0 : index
    %get3A_20 = vector.load %arg2[%get3A_18, %get3A_19] : memref<16x9xf32, #tpu.memory_space<vmem>>, vector<16x9xf32>
    %iota3A = tpu.iota {dimensions = array<i32: 0>} : vector<16x256xi32>
    %broadcast_in_dim3A = vector.shape_cast %div3A_17 : vector<1x256xf32> to vector<1x256xf32>
    %broadcast_in_dim3A_21 = vector.broadcast %broadcast_in_dim3A : vector<1x256xf32> to vector<16x256xf32>
    %slice3A = vector.extract_strided_slice %get3A_20 {offsets = [0, 0], sizes = [16, 1], strides = [1, 1]} : vector<16x9xf32> to vector<16x1xf32>
    %slice3A_22 = vector.extract_strided_slice %get3A_20 {offsets = [0, 1], sizes = [16, 1], strides = [1, 1]} : vector<16x9xf32> to vector<16x1xf32>
    %slice3A_23 = vector.extract_strided_slice %get3A_20 {offsets = [0, 2], sizes = [16, 1], strides = [1, 1]} : vector<16x9xf32> to vector<16x1xf32>
    %slice3A_24 = vector.extract_strided_slice %get3A_20 {offsets = [0, 3], sizes = [16, 1], strides = [1, 1]} : vector<16x9xf32> to vector<16x1xf32>
    %slice3A_25 = vector.extract_strided_slice %get3A_20 {offsets = [0, 4], sizes = [16, 1], strides = [1, 1]} : vector<16x9xf32> to vector<16x1xf32>
    %slice3A_26 = vector.extract_strided_slice %get3A_20 {offsets = [0, 5], sizes = [16, 1], strides = [1, 1]} : vector<16x9xf32> to vector<16x1xf32>
    %slice3A_27 = vector.extract_strided_slice %get3A_20 {offsets = [0, 6], sizes = [16, 1], strides = [1, 1]} : vector<16x9xf32> to vector<16x1xf32>
    %slice3A_28 = vector.extract_strided_slice %get3A_20 {offsets = [0, 7], sizes = [16, 1], strides = [1, 1]} : vector<16x9xf32> to vector<16x1xf32>
    %slice3A_29 = vector.extract_strided_slice %get3A_20 {offsets = [0, 8], sizes = [16, 1], strides = [1, 1]} : vector<16x9xf32> to vector<16x1xf32>
    %eq3A = arith.constant 0 : i32
    %eq3A_30 = vector.broadcast %eq3A : i32 to vector<16x256xi32>
    %eq3A_31 = arith.cmpi eq, %iota3A, %eq3A_30 : vector<16x256xi32>
    %sub3A_32 = arith.constant -1.000000e+00 : f32
    %sub3A_33 = vector.broadcast %sub3A_32 : f32 to vector<16x256xf32>
    %sub3A_34 = arith.subf %broadcast_in_dim3A_21, %sub3A_33 : vector<16x256xf32>
    %mul3A_35 = vector.broadcast %slice3A : vector<16x1xf32> to vector<16x256xf32>
    %mul3A_36 = arith.mulf %sub3A_34, %mul3A_35 : vector<16x256xf32>
    %jit3A_37 = arith.constant 1.000000e+00 : f32
    %broadcast_in_dim3A_38 = vector.broadcast %jit3A_37 : f32 to vector<16x256xf32>
    %select_n3A = arith.select %eq3A_31, %broadcast_in_dim3A_38, %mul3A_36 : vector<16x256xi1>, vector<16x256xf32>
    %eq3A_39 = arith.constant 1 : i32
    %eq3A_40 = vector.broadcast %eq3A_39 : i32 to vector<16x256xi32>
    %eq3A_41 = arith.cmpi eq, %iota3A, %eq3A_40 : vector<16x256xi32>
    %sub3A_42 = arith.constant -7.500000e-01 : f32
    %sub3A_43 = vector.broadcast %sub3A_42 : f32 to vector<16x256xf32>
    %sub3A_44 = arith.subf %broadcast_in_dim3A_21, %sub3A_43 : vector<16x256xf32>
    %mul3A_45 = vector.broadcast %slice3A_22 : vector<16x1xf32> to vector<16x256xf32>
    %mul3A_46 = arith.mulf %sub3A_44, %mul3A_45 : vector<16x256xf32>
    %jit3A_47 = arith.constant 1.000000e+00 : f32
    %broadcast_in_dim3A_48 = vector.broadcast %jit3A_47 : f32 to vector<16x256xf32>
    %select_n3A_49 = arith.select %eq3A_41, %broadcast_in_dim3A_48, %mul3A_46 : vector<16x256xi1>, vector<16x256xf32>
    %eq3A_50 = arith.constant 2 : i32
    %eq3A_51 = vector.broadcast %eq3A_50 : i32 to vector<16x256xi32>
    %eq3A_52 = arith.cmpi eq, %iota3A, %eq3A_51 : vector<16x256xi32>
    %sub3A_53 = arith.constant -5.000000e-01 : f32
    %sub3A_54 = vector.broadcast %sub3A_53 : f32 to vector<16x256xf32>
    %sub3A_55 = arith.subf %broadcast_in_dim3A_21, %sub3A_54 : vector<16x256xf32>
    %mul3A_56 = vector.broadcast %slice3A_23 : vector<16x1xf32> to vector<16x256xf32>
    %mul3A_57 = arith.mulf %sub3A_55, %mul3A_56 : vector<16x256xf32>
    %jit3A_58 = arith.constant 1.000000e+00 : f32
    %broadcast_in_dim3A_59 = vector.broadcast %jit3A_58 : f32 to vector<16x256xf32>
    %select_n3A_60 = arith.select %eq3A_52, %broadcast_in_dim3A_59, %mul3A_57 : vector<16x256xi1>, vector<16x256xf32>
    %eq3A_61 = arith.constant 3 : i32
    %eq3A_62 = vector.broadcast %eq3A_61 : i32 to vector<16x256xi32>
    %eq3A_63 = arith.cmpi eq, %iota3A, %eq3A_62 : vector<16x256xi32>
    %sub3A_64 = arith.constant -2.500000e-01 : f32
    %sub3A_65 = vector.broadcast %sub3A_64 : f32 to vector<16x256xf32>
    %sub3A_66 = arith.subf %broadcast_in_dim3A_21, %sub3A_65 : vector<16x256xf32>
    %mul3A_67 = vector.broadcast %slice3A_24 : vector<16x1xf32> to vector<16x256xf32>
    %mul3A_68 = arith.mulf %sub3A_66, %mul3A_67 : vector<16x256xf32>
    %jit3A_69 = arith.constant 1.000000e+00 : f32
    %broadcast_in_dim3A_70 = vector.broadcast %jit3A_69 : f32 to vector<16x256xf32>
    %select_n3A_71 = arith.select %eq3A_63, %broadcast_in_dim3A_70, %mul3A_68 : vector<16x256xi1>, vector<16x256xf32>
    %eq3A_72 = arith.constant 4 : i32
    %eq3A_73 = vector.broadcast %eq3A_72 : i32 to vector<16x256xi32>
    %eq3A_74 = arith.cmpi eq, %iota3A, %eq3A_73 : vector<16x256xi32>
    %sub3A_75 = arith.constant 0.000000e+00 : f32
    %sub3A_76 = vector.broadcast %sub3A_75 : f32 to vector<16x256xf32>
    %sub3A_77 = arith.subf %broadcast_in_dim3A_21, %sub3A_76 : vector<16x256xf32>
    %mul3A_78 = vector.broadcast %slice3A_25 : vector<16x1xf32> to vector<16x256xf32>
    %mul3A_79 = arith.mulf %sub3A_77, %mul3A_78 : vector<16x256xf32>
    %jit3A_80 = arith.constant 1.000000e+00 : f32
    %broadcast_in_dim3A_81 = vector.broadcast %jit3A_80 : f32 to vector<16x256xf32>
    %select_n3A_82 = arith.select %eq3A_74, %broadcast_in_dim3A_81, %mul3A_79 : vector<16x256xi1>, vector<16x256xf32>
    %eq3A_83 = arith.constant 5 : i32
    %eq3A_84 = vector.broadcast %eq3A_83 : i32 to vector<16x256xi32>
    %eq3A_85 = arith.cmpi eq, %iota3A, %eq3A_84 : vector<16x256xi32>
    %sub3A_86 = arith.constant 2.500000e-01 : f32
    %sub3A_87 = vector.broadcast %sub3A_86 : f32 to vector<16x256xf32>
    %sub3A_88 = arith.subf %broadcast_in_dim3A_21, %sub3A_87 : vector<16x256xf32>
    %mul3A_89 = vector.broadcast %slice3A_26 : vector<16x1xf32> to vector<16x256xf32>
    %mul3A_90 = arith.mulf %sub3A_88, %mul3A_89 : vector<16x256xf32>
    %jit3A_91 = arith.constant 1.000000e+00 : f32
    %broadcast_in_dim3A_92 = vector.broadcast %jit3A_91 : f32 to vector<16x256xf32>
    %select_n3A_93 = arith.select %eq3A_85, %broadcast_in_dim3A_92, %mul3A_90 : vector<16x256xi1>, vector<16x256xf32>
    %eq3A_94 = arith.constant 6 : i32
    %eq3A_95 = vector.broadcast %eq3A_94 : i32 to vector<16x256xi32>
    %eq3A_96 = arith.cmpi eq, %iota3A, %eq3A_95 : vector<16x256xi32>
    %sub3A_97 = arith.constant 5.000000e-01 : f32
    %sub3A_98 = vector.broadcast %sub3A_97 : f32 to vector<16x256xf32>
    %sub3A_99 = arith.subf %broadcast_in_dim3A_21, %sub3A_98 : vector<16x256xf32>
    %mul3A_100 = vector.broadcast %slice3A_27 : vector<16x1xf32> to vector<16x256xf32>
    %mul3A_101 = arith.mulf %sub3A_99, %mul3A_100 : vector<16x256xf32>
    %jit3A_102 = arith.constant 1.000000e+00 : f32
    %broadcast_in_dim3A_103 = vector.broadcast %jit3A_102 : f32 to vector<16x256xf32>
    %select_n3A_104 = arith.select %eq3A_96, %broadcast_in_dim3A_103, %mul3A_101 : vector<16x256xi1>, vector<16x256xf32>
    %eq3A_105 = arith.constant 7 : i32
    %eq3A_106 = vector.broadcast %eq3A_105 : i32 to vector<16x256xi32>
    %eq3A_107 = arith.cmpi eq, %iota3A, %eq3A_106 : vector<16x256xi32>
    %sub3A_108 = arith.constant 7.500000e-01 : f32
    %sub3A_109 = vector.broadcast %sub3A_108 : f32 to vector<16x256xf32>
    %sub3A_110 = arith.subf %broadcast_in_dim3A_21, %sub3A_109 : vector<16x256xf32>
    %mul3A_111 = vector.broadcast %slice3A_28 : vector<16x1xf32> to vector<16x256xf32>
    %mul3A_112 = arith.mulf %sub3A_110, %mul3A_111 : vector<16x256xf32>
    %jit3A_113 = arith.constant 1.000000e+00 : f32
    %broadcast_in_dim3A_114 = vector.broadcast %jit3A_113 : f32 to vector<16x256xf32>
    %select_n3A_115 = arith.select %eq3A_107, %broadcast_in_dim3A_114, %mul3A_112 : vector<16x256xi1>, vector<16x256xf32>
    %eq3A_116 = arith.constant 8 : i32
    %eq3A_117 = vector.broadcast %eq3A_116 : i32 to vector<16x256xi32>
    %eq3A_118 = arith.cmpi eq, %iota3A, %eq3A_117 : vector<16x256xi32>
    %sub3A_119 = arith.constant 1.000000e+00 : f32
    %sub3A_120 = vector.broadcast %sub3A_119 : f32 to vector<16x256xf32>
    %sub3A_121 = arith.subf %broadcast_in_dim3A_21, %sub3A_120 : vector<16x256xf32>
    %mul3A_122 = vector.broadcast %slice3A_29 : vector<16x1xf32> to vector<16x256xf32>
    %mul3A_123 = arith.mulf %sub3A_121, %mul3A_122 : vector<16x256xf32>
    %jit3A_124 = arith.constant 1.000000e+00 : f32
    %broadcast_in_dim3A_125 = vector.broadcast %jit3A_124 : f32 to vector<16x256xf32>
    %select_n3A_126 = arith.select %eq3A_118, %broadcast_in_dim3A_125, %mul3A_123 : vector<16x256xi1>, vector<16x256xf32>
    %mul3A_127 = arith.mulf %select_n3A, %select_n3A_49 : vector<16x256xf32>
    %mul3A_128 = arith.mulf %mul3A_127, %select_n3A_60 : vector<16x256xf32>
    %mul3A_129 = arith.mulf %mul3A_128, %select_n3A_71 : vector<16x256xf32>
    %mul3A_130 = arith.mulf %mul3A_129, %select_n3A_82 : vector<16x256xf32>
    %mul3A_131 = arith.mulf %mul3A_130, %select_n3A_93 : vector<16x256xf32>
    %mul3A_132 = arith.mulf %mul3A_131, %select_n3A_104 : vector<16x256xf32>
    %mul3A_133 = arith.mulf %mul3A_132, %select_n3A_115 : vector<16x256xf32>
    %mul3A_134 = arith.mulf %mul3A_133, %select_n3A_126 : vector<16x256xf32>
    %mul3A_135 = arith.mulf %select_n3A, %select_n3A_49 : vector<16x256xf32>
    %mul3A_136 = arith.mulf %mul3A_135, %select_n3A_60 : vector<16x256xf32>
    %mul3A_137 = arith.mulf %mul3A_136, %select_n3A_71 : vector<16x256xf32>
    %mul3A_138 = arith.mulf %mul3A_137, %select_n3A_82 : vector<16x256xf32>
    %mul3A_139 = arith.mulf %mul3A_138, %select_n3A_93 : vector<16x256xf32>
    %mul3A_140 = arith.mulf %mul3A_139, %select_n3A_104 : vector<16x256xf32>
    %mul3A_141 = arith.mulf %mul3A_140, %select_n3A_115 : vector<16x256xf32>
    %mul3A_142 = arith.mulf %select_n3A_126, %select_n3A_115 : vector<16x256xf32>
    %mul3A_143 = arith.mulf %mul3A_142, %select_n3A_104 : vector<16x256xf32>
    %mul3A_144 = arith.mulf %mul3A_143, %select_n3A_93 : vector<16x256xf32>
    %mul3A_145 = arith.mulf %mul3A_144, %select_n3A_82 : vector<16x256xf32>
    %mul3A_146 = arith.mulf %mul3A_145, %select_n3A_71 : vector<16x256xf32>
    %mul3A_147 = arith.mulf %mul3A_146, %select_n3A_60 : vector<16x256xf32>
    %mul3A_148 = arith.mulf %mul3A_147, %select_n3A_49 : vector<16x256xf32>
    %mul3A_149 = arith.mulf %select_n3A, %mul3A_147 : vector<16x256xf32>
    %mul3A_150 = arith.mulf %mul3A_135, %mul3A_146 : vector<16x256xf32>
    %mul3A_151 = arith.mulf %mul3A_136, %mul3A_145 : vector<16x256xf32>
    %mul3A_152 = arith.mulf %mul3A_137, %mul3A_144 : vector<16x256xf32>
    %mul3A_153 = arith.mulf %mul3A_138, %mul3A_143 : vector<16x256xf32>
    %mul3A_154 = arith.mulf %mul3A_139, %mul3A_142 : vector<16x256xf32>
    %mul3A_155 = arith.mulf %mul3A_140, %select_n3A_126 : vector<16x256xf32>
    %mul3A_156 = vector.broadcast %slice3A : vector<16x1xf32> to vector<16x256xf32>
    %mul3A_157 = arith.mulf %mul3A_156, %mul3A_148 : vector<16x256xf32>
    %mul3A_158 = vector.broadcast %slice3A_22 : vector<16x1xf32> to vector<16x256xf32>
    %mul3A_159 = arith.mulf %mul3A_158, %mul3A_149 : vector<16x256xf32>
    %add3A = arith.addf %mul3A_157, %mul3A_159 : vector<16x256xf32>
    %mul3A_160 = vector.broadcast %slice3A_23 : vector<16x1xf32> to vector<16x256xf32>
    %mul3A_161 = arith.mulf %mul3A_160, %mul3A_150 : vector<16x256xf32>
    %add3A_162 = arith.addf %add3A, %mul3A_161 : vector<16x256xf32>
    %mul3A_163 = vector.broadcast %slice3A_24 : vector<16x1xf32> to vector<16x256xf32>
    %mul3A_164 = arith.mulf %mul3A_163, %mul3A_151 : vector<16x256xf32>
    %add3A_165 = arith.addf %add3A_162, %mul3A_164 : vector<16x256xf32>
    %mul3A_166 = vector.broadcast %slice3A_25 : vector<16x1xf32> to vector<16x256xf32>
    %mul3A_167 = arith.mulf %mul3A_166, %mul3A_152 : vector<16x256xf32>
    %add3A_168 = arith.addf %add3A_165, %mul3A_167 : vector<16x256xf32>
    %mul3A_169 = vector.broadcast %slice3A_26 : vector<16x1xf32> to vector<16x256xf32>
    %mul3A_170 = arith.mulf %mul3A_169, %mul3A_153 : vector<16x256xf32>
    %add3A_171 = arith.addf %add3A_168, %mul3A_170 : vector<16x256xf32>
    %mul3A_172 = vector.broadcast %slice3A_27 : vector<16x1xf32> to vector<16x256xf32>
    %mul3A_173 = arith.mulf %mul3A_172, %mul3A_154 : vector<16x256xf32>
    %add3A_174 = arith.addf %add3A_171, %mul3A_173 : vector<16x256xf32>
    %mul3A_175 = vector.broadcast %slice3A_28 : vector<16x1xf32> to vector<16x256xf32>
    %mul3A_176 = arith.mulf %mul3A_175, %mul3A_155 : vector<16x256xf32>
    %add3A_177 = arith.addf %add3A_174, %mul3A_176 : vector<16x256xf32>
    %mul3A_178 = vector.broadcast %slice3A_29 : vector<16x1xf32> to vector<16x256xf32>
    %mul3A_179 = arith.mulf %mul3A_178, %mul3A_141 : vector<16x256xf32>
    %add3A_180 = arith.addf %add3A_177, %mul3A_179 : vector<16x256xf32>
    %mul3A_181 = arith.mulf %select_n3A_49, %select_n3A_60 : vector<16x256xf32>
    %mul3A_182 = arith.mulf %mul3A_181, %select_n3A_71 : vector<16x256xf32>
    %mul3A_183 = arith.mulf %mul3A_182, %select_n3A_82 : vector<16x256xf32>
    %mul3A_184 = arith.mulf %mul3A_183, %select_n3A_93 : vector<16x256xf32>
    %mul3A_185 = arith.mulf %mul3A_184, %select_n3A_104 : vector<16x256xf32>
    %mul3A_186 = arith.mulf %mul3A_185, %select_n3A_115 : vector<16x256xf32>
    %mul3A_187 = arith.mulf %select_n3A_126, %select_n3A_115 : vector<16x256xf32>
    %mul3A_188 = arith.mulf %mul3A_187, %select_n3A_104 : vector<16x256xf32>
    %mul3A_189 = arith.mulf %mul3A_188, %select_n3A_93 : vector<16x256xf32>
    %mul3A_190 = arith.mulf %mul3A_189, %select_n3A_82 : vector<16x256xf32>
    %mul3A_191 = arith.mulf %mul3A_190, %select_n3A_71 : vector<16x256xf32>
    %mul3A_192 = arith.mulf %mul3A_191, %select_n3A_60 : vector<16x256xf32>
    %mul3A_193 = arith.mulf %select_n3A_49, %mul3A_191 : vector<16x256xf32>
    %mul3A_194 = arith.mulf %mul3A_181, %mul3A_190 : vector<16x256xf32>
    %mul3A_195 = arith.mulf %mul3A_182, %mul3A_189 : vector<16x256xf32>
    %mul3A_196 = arith.mulf %mul3A_183, %mul3A_188 : vector<16x256xf32>
    %mul3A_197 = arith.mulf %mul3A_184, %mul3A_187 : vector<16x256xf32>
    %mul3A_198 = arith.mulf %mul3A_185, %select_n3A_126 : vector<16x256xf32>
    %mul3A_199 = vector.broadcast %slice3A_22 : vector<16x1xf32> to vector<16x256xf32>
    %mul3A_200 = arith.mulf %mul3A_199, %mul3A_192 : vector<16x256xf32>
    %mul3A_201 = vector.broadcast %slice3A_23 : vector<16x1xf32> to vector<16x256xf32>
    %mul3A_202 = arith.mulf %mul3A_201, %mul3A_193 : vector<16x256xf32>
    %add3A_203 = arith.addf %mul3A_200, %mul3A_202 : vector<16x256xf32>
    %mul3A_204 = vector.broadcast %slice3A_24 : vector<16x1xf32> to vector<16x256xf32>
    %mul3A_205 = arith.mulf %mul3A_204, %mul3A_194 : vector<16x256xf32>
    %add3A_206 = arith.addf %add3A_203, %mul3A_205 : vector<16x256xf32>
    %mul3A_207 = vector.broadcast %slice3A_25 : vector<16x1xf32> to vector<16x256xf32>
    %mul3A_208 = arith.mulf %mul3A_207, %mul3A_195 : vector<16x256xf32>
    %add3A_209 = arith.addf %add3A_206, %mul3A_208 : vector<16x256xf32>
    %mul3A_210 = vector.broadcast %slice3A_26 : vector<16x1xf32> to vector<16x256xf32>
    %mul3A_211 = arith.mulf %mul3A_210, %mul3A_196 : vector<16x256xf32>
    %add3A_212 = arith.addf %add3A_209, %mul3A_211 : vector<16x256xf32>
    %mul3A_213 = vector.broadcast %slice3A_27 : vector<16x1xf32> to vector<16x256xf32>
    %mul3A_214 = arith.mulf %mul3A_213, %mul3A_197 : vector<16x256xf32>
    %add3A_215 = arith.addf %add3A_212, %mul3A_214 : vector<16x256xf32>
    %mul3A_216 = vector.broadcast %slice3A_28 : vector<16x1xf32> to vector<16x256xf32>
    %mul3A_217 = arith.mulf %mul3A_216, %mul3A_198 : vector<16x256xf32>
    %add3A_218 = arith.addf %add3A_215, %mul3A_217 : vector<16x256xf32>
    %mul3A_219 = vector.broadcast %slice3A_29 : vector<16x1xf32> to vector<16x256xf32>
    %mul3A_220 = arith.mulf %mul3A_219, %mul3A_186 : vector<16x256xf32>
    %add3A_221 = arith.addf %add3A_218, %mul3A_220 : vector<16x256xf32>
    %mul3A_222 = vector.broadcast %slice3A : vector<16x1xf32> to vector<16x256xf32>
    %mul3A_223 = arith.mulf %mul3A_222, %add3A_221 : vector<16x256xf32>
    %mul3A_224 = arith.mulf %select_n3A, %select_n3A_60 : vector<16x256xf32>
    %mul3A_225 = arith.mulf %mul3A_224, %select_n3A_71 : vector<16x256xf32>
    %mul3A_226 = arith.mulf %mul3A_225, %select_n3A_82 : vector<16x256xf32>
    %mul3A_227 = arith.mulf %mul3A_226, %select_n3A_93 : vector<16x256xf32>
    %mul3A_228 = arith.mulf %mul3A_227, %select_n3A_104 : vector<16x256xf32>
    %mul3A_229 = arith.mulf %mul3A_228, %select_n3A_115 : vector<16x256xf32>
    %mul3A_230 = arith.mulf %select_n3A_126, %select_n3A_115 : vector<16x256xf32>
    %mul3A_231 = arith.mulf %mul3A_230, %select_n3A_104 : vector<16x256xf32>
    %mul3A_232 = arith.mulf %mul3A_231, %select_n3A_93 : vector<16x256xf32>
    %mul3A_233 = arith.mulf %mul3A_232, %select_n3A_82 : vector<16x256xf32>
    %mul3A_234 = arith.mulf %mul3A_233, %select_n3A_71 : vector<16x256xf32>
    %mul3A_235 = arith.mulf %mul3A_234, %select_n3A_60 : vector<16x256xf32>
    %mul3A_236 = arith.mulf %select_n3A, %mul3A_234 : vector<16x256xf32>
    %mul3A_237 = arith.mulf %mul3A_224, %mul3A_233 : vector<16x256xf32>
    %mul3A_238 = arith.mulf %mul3A_225, %mul3A_232 : vector<16x256xf32>
    %mul3A_239 = arith.mulf %mul3A_226, %mul3A_231 : vector<16x256xf32>
    %mul3A_240 = arith.mulf %mul3A_227, %mul3A_230 : vector<16x256xf32>
    %mul3A_241 = arith.mulf %mul3A_228, %select_n3A_126 : vector<16x256xf32>
    %mul3A_242 = vector.broadcast %slice3A : vector<16x1xf32> to vector<16x256xf32>
    %mul3A_243 = arith.mulf %mul3A_242, %mul3A_235 : vector<16x256xf32>
    %mul3A_244 = vector.broadcast %slice3A_23 : vector<16x1xf32> to vector<16x256xf32>
    %mul3A_245 = arith.mulf %mul3A_244, %mul3A_236 : vector<16x256xf32>
    %add3A_246 = arith.addf %mul3A_243, %mul3A_245 : vector<16x256xf32>
    %mul3A_247 = vector.broadcast %slice3A_24 : vector<16x1xf32> to vector<16x256xf32>
    %mul3A_248 = arith.mulf %mul3A_247, %mul3A_237 : vector<16x256xf32>
    %add3A_249 = arith.addf %add3A_246, %mul3A_248 : vector<16x256xf32>
    %mul3A_250 = vector.broadcast %slice3A_25 : vector<16x1xf32> to vector<16x256xf32>
    %mul3A_251 = arith.mulf %mul3A_250, %mul3A_238 : vector<16x256xf32>
    %add3A_252 = arith.addf %add3A_249, %mul3A_251 : vector<16x256xf32>
    %mul3A_253 = vector.broadcast %slice3A_26 : vector<16x1xf32> to vector<16x256xf32>
    %mul3A_254 = arith.mulf %mul3A_253, %mul3A_239 : vector<16x256xf32>
    %add3A_255 = arith.addf %add3A_252, %mul3A_254 : vector<16x256xf32>
    %mul3A_256 = vector.broadcast %slice3A_27 : vector<16x1xf32> to vector<16x256xf32>
    %mul3A_257 = arith.mulf %mul3A_256, %mul3A_240 : vector<16x256xf32>
    %add3A_258 = arith.addf %add3A_255, %mul3A_257 : vector<16x256xf32>
    %mul3A_259 = vector.broadcast %slice3A_28 : vector<16x1xf32> to vector<16x256xf32>
    %mul3A_260 = arith.mulf %mul3A_259, %mul3A_241 : vector<16x256xf32>
    %add3A_261 = arith.addf %add3A_258, %mul3A_260 : vector<16x256xf32>
    %mul3A_262 = vector.broadcast %slice3A_29 : vector<16x1xf32> to vector<16x256xf32>
    %mul3A_263 = arith.mulf %mul3A_262, %mul3A_229 : vector<16x256xf32>
    %add3A_264 = arith.addf %add3A_261, %mul3A_263 : vector<16x256xf32>
    %mul3A_265 = vector.broadcast %slice3A_22 : vector<16x1xf32> to vector<16x256xf32>
    %mul3A_266 = arith.mulf %mul3A_265, %add3A_264 : vector<16x256xf32>
    %add3A_267 = arith.addf %mul3A_223, %mul3A_266 : vector<16x256xf32>
    %mul3A_268 = arith.mulf %select_n3A, %select_n3A_49 : vector<16x256xf32>
    %mul3A_269 = arith.mulf %mul3A_268, %select_n3A_71 : vector<16x256xf32>
    %mul3A_270 = arith.mulf %mul3A_269, %select_n3A_82 : vector<16x256xf32>
    %mul3A_271 = arith.mulf %mul3A_270, %select_n3A_93 : vector<16x256xf32>
    %mul3A_272 = arith.mulf %mul3A_271, %select_n3A_104 : vector<16x256xf32>
    %mul3A_273 = arith.mulf %mul3A_272, %select_n3A_115 : vector<16x256xf32>
    %mul3A_274 = arith.mulf %select_n3A_126, %select_n3A_115 : vector<16x256xf32>
    %mul3A_275 = arith.mulf %mul3A_274, %select_n3A_104 : vector<16x256xf32>
    %mul3A_276 = arith.mulf %mul3A_275, %select_n3A_93 : vector<16x256xf32>
    %mul3A_277 = arith.mulf %mul3A_276, %select_n3A_82 : vector<16x256xf32>
    %mul3A_278 = arith.mulf %mul3A_277, %select_n3A_71 : vector<16x256xf32>
    %mul3A_279 = arith.mulf %mul3A_278, %select_n3A_49 : vector<16x256xf32>
    %mul3A_280 = arith.mulf %select_n3A, %mul3A_278 : vector<16x256xf32>
    %mul3A_281 = arith.mulf %mul3A_268, %mul3A_277 : vector<16x256xf32>
    %mul3A_282 = arith.mulf %mul3A_269, %mul3A_276 : vector<16x256xf32>
    %mul3A_283 = arith.mulf %mul3A_270, %mul3A_275 : vector<16x256xf32>
    %mul3A_284 = arith.mulf %mul3A_271, %mul3A_274 : vector<16x256xf32>
    %mul3A_285 = arith.mulf %mul3A_272, %select_n3A_126 : vector<16x256xf32>
    %mul3A_286 = vector.broadcast %slice3A : vector<16x1xf32> to vector<16x256xf32>
    %mul3A_287 = arith.mulf %mul3A_286, %mul3A_279 : vector<16x256xf32>
    %mul3A_288 = vector.broadcast %slice3A_22 : vector<16x1xf32> to vector<16x256xf32>
    %mul3A_289 = arith.mulf %mul3A_288, %mul3A_280 : vector<16x256xf32>
    %add3A_290 = arith.addf %mul3A_287, %mul3A_289 : vector<16x256xf32>
    %mul3A_291 = vector.broadcast %slice3A_24 : vector<16x1xf32> to vector<16x256xf32>
    %mul3A_292 = arith.mulf %mul3A_291, %mul3A_281 : vector<16x256xf32>
    %add3A_293 = arith.addf %add3A_290, %mul3A_292 : vector<16x256xf32>
    %mul3A_294 = vector.broadcast %slice3A_25 : vector<16x1xf32> to vector<16x256xf32>
    %mul3A_295 = arith.mulf %mul3A_294, %mul3A_282 : vector<16x256xf32>
    %add3A_296 = arith.addf %add3A_293, %mul3A_295 : vector<16x256xf32>
    %mul3A_297 = vector.broadcast %slice3A_26 : vector<16x1xf32> to vector<16x256xf32>
    %mul3A_298 = arith.mulf %mul3A_297, %mul3A_283 : vector<16x256xf32>
    %add3A_299 = arith.addf %add3A_296, %mul3A_298 : vector<16x256xf32>
    %mul3A_300 = vector.broadcast %slice3A_27 : vector<16x1xf32> to vector<16x256xf32>
    %mul3A_301 = arith.mulf %mul3A_300, %mul3A_284 : vector<16x256xf32>
    %add3A_302 = arith.addf %add3A_299, %mul3A_301 : vector<16x256xf32>
    %mul3A_303 = vector.broadcast %slice3A_28 : vector<16x1xf32> to vector<16x256xf32>
    %mul3A_304 = arith.mulf %mul3A_303, %mul3A_285 : vector<16x256xf32>
    %add3A_305 = arith.addf %add3A_302, %mul3A_304 : vector<16x256xf32>
    %mul3A_306 = vector.broadcast %slice3A_29 : vector<16x1xf32> to vector<16x256xf32>
    %mul3A_307 = arith.mulf %mul3A_306, %mul3A_273 : vector<16x256xf32>
    %add3A_308 = arith.addf %add3A_305, %mul3A_307 : vector<16x256xf32>
    %mul3A_309 = vector.broadcast %slice3A_23 : vector<16x1xf32> to vector<16x256xf32>
    %mul3A_310 = arith.mulf %mul3A_309, %add3A_308 : vector<16x256xf32>
    %add3A_311 = arith.addf %add3A_267, %mul3A_310 : vector<16x256xf32>
    %mul3A_312 = arith.mulf %select_n3A, %select_n3A_49 : vector<16x256xf32>
    %mul3A_313 = arith.mulf %mul3A_312, %select_n3A_60 : vector<16x256xf32>
    %mul3A_314 = arith.mulf %mul3A_313, %select_n3A_82 : vector<16x256xf32>
    %mul3A_315 = arith.mulf %mul3A_314, %select_n3A_93 : vector<16x256xf32>
    %mul3A_316 = arith.mulf %mul3A_315, %select_n3A_104 : vector<16x256xf32>
    %mul3A_317 = arith.mulf %mul3A_316, %select_n3A_115 : vector<16x256xf32>
    %mul3A_318 = arith.mulf %select_n3A_126, %select_n3A_115 : vector<16x256xf32>
    %mul3A_319 = arith.mulf %mul3A_318, %select_n3A_104 : vector<16x256xf32>
    %mul3A_320 = arith.mulf %mul3A_319, %select_n3A_93 : vector<16x256xf32>
    %mul3A_321 = arith.mulf %mul3A_320, %select_n3A_82 : vector<16x256xf32>
    %mul3A_322 = arith.mulf %mul3A_321, %select_n3A_60 : vector<16x256xf32>
    %mul3A_323 = arith.mulf %mul3A_322, %select_n3A_49 : vector<16x256xf32>
    %mul3A_324 = arith.mulf %select_n3A, %mul3A_322 : vector<16x256xf32>
    %mul3A_325 = arith.mulf %mul3A_312, %mul3A_321 : vector<16x256xf32>
    %mul3A_326 = arith.mulf %mul3A_313, %mul3A_320 : vector<16x256xf32>
    %mul3A_327 = arith.mulf %mul3A_314, %mul3A_319 : vector<16x256xf32>
    %mul3A_328 = arith.mulf %mul3A_315, %mul3A_318 : vector<16x256xf32>
    %mul3A_329 = arith.mulf %mul3A_316, %select_n3A_126 : vector<16x256xf32>
    %mul3A_330 = vector.broadcast %slice3A : vector<16x1xf32> to vector<16x256xf32>
    %mul3A_331 = arith.mulf %mul3A_330, %mul3A_323 : vector<16x256xf32>
    %mul3A_332 = vector.broadcast %slice3A_22 : vector<16x1xf32> to vector<16x256xf32>
    %mul3A_333 = arith.mulf %mul3A_332, %mul3A_324 : vector<16x256xf32>
    %add3A_334 = arith.addf %mul3A_331, %mul3A_333 : vector<16x256xf32>
    %mul3A_335 = vector.broadcast %slice3A_23 : vector<16x1xf32> to vector<16x256xf32>
    %mul3A_336 = arith.mulf %mul3A_335, %mul3A_325 : vector<16x256xf32>
    %add3A_337 = arith.addf %add3A_334, %mul3A_336 : vector<16x256xf32>
    %mul3A_338 = vector.broadcast %slice3A_25 : vector<16x1xf32> to vector<16x256xf32>
    %mul3A_339 = arith.mulf %mul3A_338, %mul3A_326 : vector<16x256xf32>
    %add3A_340 = arith.addf %add3A_337, %mul3A_339 : vector<16x256xf32>
    %mul3A_341 = vector.broadcast %slice3A_26 : vector<16x1xf32> to vector<16x256xf32>
    %mul3A_342 = arith.mulf %mul3A_341, %mul3A_327 : vector<16x256xf32>
    %add3A_343 = arith.addf %add3A_340, %mul3A_342 : vector<16x256xf32>
    %mul3A_344 = vector.broadcast %slice3A_27 : vector<16x1xf32> to vector<16x256xf32>
    %mul3A_345 = arith.mulf %mul3A_344, %mul3A_328 : vector<16x256xf32>
    %add3A_346 = arith.addf %add3A_343, %mul3A_345 : vector<16x256xf32>
    %mul3A_347 = vector.broadcast %slice3A_28 : vector<16x1xf32> to vector<16x256xf32>
    %mul3A_348 = arith.mulf %mul3A_347, %mul3A_329 : vector<16x256xf32>
    %add3A_349 = arith.addf %add3A_346, %mul3A_348 : vector<16x256xf32>
    %mul3A_350 = vector.broadcast %slice3A_29 : vector<16x1xf32> to vector<16x256xf32>
    %mul3A_351 = arith.mulf %mul3A_350, %mul3A_317 : vector<16x256xf32>
    %add3A_352 = arith.addf %add3A_349, %mul3A_351 : vector<16x256xf32>
    %mul3A_353 = vector.broadcast %slice3A_24 : vector<16x1xf32> to vector<16x256xf32>
    %mul3A_354 = arith.mulf %mul3A_353, %add3A_352 : vector<16x256xf32>
    %add3A_355 = arith.addf %add3A_311, %mul3A_354 : vector<16x256xf32>
    %mul3A_356 = arith.mulf %select_n3A, %select_n3A_49 : vector<16x256xf32>
    %mul3A_357 = arith.mulf %mul3A_356, %select_n3A_60 : vector<16x256xf32>
    %mul3A_358 = arith.mulf %mul3A_357, %select_n3A_71 : vector<16x256xf32>
    %mul3A_359 = arith.mulf %mul3A_358, %select_n3A_93 : vector<16x256xf32>
    %mul3A_360 = arith.mulf %mul3A_359, %select_n3A_104 : vector<16x256xf32>
    %mul3A_361 = arith.mulf %mul3A_360, %select_n3A_115 : vector<16x256xf32>
    %mul3A_362 = arith.mulf %select_n3A_126, %select_n3A_115 : vector<16x256xf32>
    %mul3A_363 = arith.mulf %mul3A_362, %select_n3A_104 : vector<16x256xf32>
    %mul3A_364 = arith.mulf %mul3A_363, %select_n3A_93 : vector<16x256xf32>
    %mul3A_365 = arith.mulf %mul3A_364, %select_n3A_71 : vector<16x256xf32>
    %mul3A_366 = arith.mulf %mul3A_365, %select_n3A_60 : vector<16x256xf32>
    %mul3A_367 = arith.mulf %mul3A_366, %select_n3A_49 : vector<16x256xf32>
    %mul3A_368 = arith.mulf %select_n3A, %mul3A_366 : vector<16x256xf32>
    %mul3A_369 = arith.mulf %mul3A_356, %mul3A_365 : vector<16x256xf32>
    %mul3A_370 = arith.mulf %mul3A_357, %mul3A_364 : vector<16x256xf32>
    %mul3A_371 = arith.mulf %mul3A_358, %mul3A_363 : vector<16x256xf32>
    %mul3A_372 = arith.mulf %mul3A_359, %mul3A_362 : vector<16x256xf32>
    %mul3A_373 = arith.mulf %mul3A_360, %select_n3A_126 : vector<16x256xf32>
    %mul3A_374 = vector.broadcast %slice3A : vector<16x1xf32> to vector<16x256xf32>
    %mul3A_375 = arith.mulf %mul3A_374, %mul3A_367 : vector<16x256xf32>
    %mul3A_376 = vector.broadcast %slice3A_22 : vector<16x1xf32> to vector<16x256xf32>
    %mul3A_377 = arith.mulf %mul3A_376, %mul3A_368 : vector<16x256xf32>
    %add3A_378 = arith.addf %mul3A_375, %mul3A_377 : vector<16x256xf32>
    %mul3A_379 = vector.broadcast %slice3A_23 : vector<16x1xf32> to vector<16x256xf32>
    %mul3A_380 = arith.mulf %mul3A_379, %mul3A_369 : vector<16x256xf32>
    %add3A_381 = arith.addf %add3A_378, %mul3A_380 : vector<16x256xf32>
    %mul3A_382 = vector.broadcast %slice3A_24 : vector<16x1xf32> to vector<16x256xf32>
    %mul3A_383 = arith.mulf %mul3A_382, %mul3A_370 : vector<16x256xf32>
    %add3A_384 = arith.addf %add3A_381, %mul3A_383 : vector<16x256xf32>
    %mul3A_385 = vector.broadcast %slice3A_26 : vector<16x1xf32> to vector<16x256xf32>
    %mul3A_386 = arith.mulf %mul3A_385, %mul3A_371 : vector<16x256xf32>
    %add3A_387 = arith.addf %add3A_384, %mul3A_386 : vector<16x256xf32>
    %mul3A_388 = vector.broadcast %slice3A_27 : vector<16x1xf32> to vector<16x256xf32>
    %mul3A_389 = arith.mulf %mul3A_388, %mul3A_372 : vector<16x256xf32>
    %add3A_390 = arith.addf %add3A_387, %mul3A_389 : vector<16x256xf32>
    %mul3A_391 = vector.broadcast %slice3A_28 : vector<16x1xf32> to vector<16x256xf32>
    %mul3A_392 = arith.mulf %mul3A_391, %mul3A_373 : vector<16x256xf32>
    %add3A_393 = arith.addf %add3A_390, %mul3A_392 : vector<16x256xf32>
    %mul3A_394 = vector.broadcast %slice3A_29 : vector<16x1xf32> to vector<16x256xf32>
    %mul3A_395 = arith.mulf %mul3A_394, %mul3A_361 : vector<16x256xf32>
    %add3A_396 = arith.addf %add3A_393, %mul3A_395 : vector<16x256xf32>
    %mul3A_397 = vector.broadcast %slice3A_25 : vector<16x1xf32> to vector<16x256xf32>
    %mul3A_398 = arith.mulf %mul3A_397, %add3A_396 : vector<16x256xf32>
    %add3A_399 = arith.addf %add3A_355, %mul3A_398 : vector<16x256xf32>
    %mul3A_400 = arith.mulf %select_n3A, %select_n3A_49 : vector<16x256xf32>
    %mul3A_401 = arith.mulf %mul3A_400, %select_n3A_60 : vector<16x256xf32>
    %mul3A_402 = arith.mulf %mul3A_401, %select_n3A_71 : vector<16x256xf32>
    %mul3A_403 = arith.mulf %mul3A_402, %select_n3A_82 : vector<16x256xf32>
    %mul3A_404 = arith.mulf %mul3A_403, %select_n3A_104 : vector<16x256xf32>
    %mul3A_405 = arith.mulf %mul3A_404, %select_n3A_115 : vector<16x256xf32>
    %mul3A_406 = arith.mulf %select_n3A_126, %select_n3A_115 : vector<16x256xf32>
    %mul3A_407 = arith.mulf %mul3A_406, %select_n3A_104 : vector<16x256xf32>
    %mul3A_408 = arith.mulf %mul3A_407, %select_n3A_82 : vector<16x256xf32>
    %mul3A_409 = arith.mulf %mul3A_408, %select_n3A_71 : vector<16x256xf32>
    %mul3A_410 = arith.mulf %mul3A_409, %select_n3A_60 : vector<16x256xf32>
    %mul3A_411 = arith.mulf %mul3A_410, %select_n3A_49 : vector<16x256xf32>
    %mul3A_412 = arith.mulf %select_n3A, %mul3A_410 : vector<16x256xf32>
    %mul3A_413 = arith.mulf %mul3A_400, %mul3A_409 : vector<16x256xf32>
    %mul3A_414 = arith.mulf %mul3A_401, %mul3A_408 : vector<16x256xf32>
    %mul3A_415 = arith.mulf %mul3A_402, %mul3A_407 : vector<16x256xf32>
    %mul3A_416 = arith.mulf %mul3A_403, %mul3A_406 : vector<16x256xf32>
    %mul3A_417 = arith.mulf %mul3A_404, %select_n3A_126 : vector<16x256xf32>
    %mul3A_418 = vector.broadcast %slice3A : vector<16x1xf32> to vector<16x256xf32>
    %mul3A_419 = arith.mulf %mul3A_418, %mul3A_411 : vector<16x256xf32>
    %mul3A_420 = vector.broadcast %slice3A_22 : vector<16x1xf32> to vector<16x256xf32>
    %mul3A_421 = arith.mulf %mul3A_420, %mul3A_412 : vector<16x256xf32>
    %add3A_422 = arith.addf %mul3A_419, %mul3A_421 : vector<16x256xf32>
    %mul3A_423 = vector.broadcast %slice3A_23 : vector<16x1xf32> to vector<16x256xf32>
    %mul3A_424 = arith.mulf %mul3A_423, %mul3A_413 : vector<16x256xf32>
    %add3A_425 = arith.addf %add3A_422, %mul3A_424 : vector<16x256xf32>
    %mul3A_426 = vector.broadcast %slice3A_24 : vector<16x1xf32> to vector<16x256xf32>
    %mul3A_427 = arith.mulf %mul3A_426, %mul3A_414 : vector<16x256xf32>
    %add3A_428 = arith.addf %add3A_425, %mul3A_427 : vector<16x256xf32>
    %mul3A_429 = vector.broadcast %slice3A_25 : vector<16x1xf32> to vector<16x256xf32>
    %mul3A_430 = arith.mulf %mul3A_429, %mul3A_415 : vector<16x256xf32>
    %add3A_431 = arith.addf %add3A_428, %mul3A_430 : vector<16x256xf32>
    %mul3A_432 = vector.broadcast %slice3A_27 : vector<16x1xf32> to vector<16x256xf32>
    %mul3A_433 = arith.mulf %mul3A_432, %mul3A_416 : vector<16x256xf32>
    %add3A_434 = arith.addf %add3A_431, %mul3A_433 : vector<16x256xf32>
    %mul3A_435 = vector.broadcast %slice3A_28 : vector<16x1xf32> to vector<16x256xf32>
    %mul3A_436 = arith.mulf %mul3A_435, %mul3A_417 : vector<16x256xf32>
    %add3A_437 = arith.addf %add3A_434, %mul3A_436 : vector<16x256xf32>
    %mul3A_438 = vector.broadcast %slice3A_29 : vector<16x1xf32> to vector<16x256xf32>
    %mul3A_439 = arith.mulf %mul3A_438, %mul3A_405 : vector<16x256xf32>
    %add3A_440 = arith.addf %add3A_437, %mul3A_439 : vector<16x256xf32>
    %mul3A_441 = vector.broadcast %slice3A_26 : vector<16x1xf32> to vector<16x256xf32>
    %mul3A_442 = arith.mulf %mul3A_441, %add3A_440 : vector<16x256xf32>
    %add3A_443 = arith.addf %add3A_399, %mul3A_442 : vector<16x256xf32>
    %mul3A_444 = arith.mulf %select_n3A, %select_n3A_49 : vector<16x256xf32>
    %mul3A_445 = arith.mulf %mul3A_444, %select_n3A_60 : vector<16x256xf32>
    %mul3A_446 = arith.mulf %mul3A_445, %select_n3A_71 : vector<16x256xf32>
    %mul3A_447 = arith.mulf %mul3A_446, %select_n3A_82 : vector<16x256xf32>
    %mul3A_448 = arith.mulf %mul3A_447, %select_n3A_93 : vector<16x256xf32>
    %mul3A_449 = arith.mulf %mul3A_448, %select_n3A_115 : vector<16x256xf32>
    %mul3A_450 = arith.mulf %select_n3A_126, %select_n3A_115 : vector<16x256xf32>
    %mul3A_451 = arith.mulf %mul3A_450, %select_n3A_93 : vector<16x256xf32>
    %mul3A_452 = arith.mulf %mul3A_451, %select_n3A_82 : vector<16x256xf32>
    %mul3A_453 = arith.mulf %mul3A_452, %select_n3A_71 : vector<16x256xf32>
    %mul3A_454 = arith.mulf %mul3A_453, %select_n3A_60 : vector<16x256xf32>
    %mul3A_455 = arith.mulf %mul3A_454, %select_n3A_49 : vector<16x256xf32>
    %mul3A_456 = arith.mulf %select_n3A, %mul3A_454 : vector<16x256xf32>
    %mul3A_457 = arith.mulf %mul3A_444, %mul3A_453 : vector<16x256xf32>
    %mul3A_458 = arith.mulf %mul3A_445, %mul3A_452 : vector<16x256xf32>
    %mul3A_459 = arith.mulf %mul3A_446, %mul3A_451 : vector<16x256xf32>
    %mul3A_460 = arith.mulf %mul3A_447, %mul3A_450 : vector<16x256xf32>
    %mul3A_461 = arith.mulf %mul3A_448, %select_n3A_126 : vector<16x256xf32>
    %mul3A_462 = vector.broadcast %slice3A : vector<16x1xf32> to vector<16x256xf32>
    %mul3A_463 = arith.mulf %mul3A_462, %mul3A_455 : vector<16x256xf32>
    %mul3A_464 = vector.broadcast %slice3A_22 : vector<16x1xf32> to vector<16x256xf32>
    %mul3A_465 = arith.mulf %mul3A_464, %mul3A_456 : vector<16x256xf32>
    %add3A_466 = arith.addf %mul3A_463, %mul3A_465 : vector<16x256xf32>
    %mul3A_467 = vector.broadcast %slice3A_23 : vector<16x1xf32> to vector<16x256xf32>
    %mul3A_468 = arith.mulf %mul3A_467, %mul3A_457 : vector<16x256xf32>
    %add3A_469 = arith.addf %add3A_466, %mul3A_468 : vector<16x256xf32>
    %mul3A_470 = vector.broadcast %slice3A_24 : vector<16x1xf32> to vector<16x256xf32>
    %mul3A_471 = arith.mulf %mul3A_470, %mul3A_458 : vector<16x256xf32>
    %add3A_472 = arith.addf %add3A_469, %mul3A_471 : vector<16x256xf32>
    %mul3A_473 = vector.broadcast %slice3A_25 : vector<16x1xf32> to vector<16x256xf32>
    %mul3A_474 = arith.mulf %mul3A_473, %mul3A_459 : vector<16x256xf32>
    %add3A_475 = arith.addf %add3A_472, %mul3A_474 : vector<16x256xf32>
    %mul3A_476 = vector.broadcast %slice3A_26 : vector<16x1xf32> to vector<16x256xf32>
    %mul3A_477 = arith.mulf %mul3A_476, %mul3A_460 : vector<16x256xf32>
    %add3A_478 = arith.addf %add3A_475, %mul3A_477 : vector<16x256xf32>
    %mul3A_479 = vector.broadcast %slice3A_28 : vector<16x1xf32> to vector<16x256xf32>
    %mul3A_480 = arith.mulf %mul3A_479, %mul3A_461 : vector<16x256xf32>
    %add3A_481 = arith.addf %add3A_478, %mul3A_480 : vector<16x256xf32>
    %mul3A_482 = vector.broadcast %slice3A_29 : vector<16x1xf32> to vector<16x256xf32>
    %mul3A_483 = arith.mulf %mul3A_482, %mul3A_449 : vector<16x256xf32>
    %add3A_484 = arith.addf %add3A_481, %mul3A_483 : vector<16x256xf32>
    %mul3A_485 = vector.broadcast %slice3A_27 : vector<16x1xf32> to vector<16x256xf32>
    %mul3A_486 = arith.mulf %mul3A_485, %add3A_484 : vector<16x256xf32>
    %add3A_487 = arith.addf %add3A_443, %mul3A_486 : vector<16x256xf32>
    %mul3A_488 = arith.mulf %select_n3A, %select_n3A_49 : vector<16x256xf32>
    %mul3A_489 = arith.mulf %mul3A_488, %select_n3A_60 : vector<16x256xf32>
    %mul3A_490 = arith.mulf %mul3A_489, %select_n3A_71 : vector<16x256xf32>
    %mul3A_491 = arith.mulf %mul3A_490, %select_n3A_82 : vector<16x256xf32>
    %mul3A_492 = arith.mulf %mul3A_491, %select_n3A_93 : vector<16x256xf32>
    %mul3A_493 = arith.mulf %mul3A_492, %select_n3A_104 : vector<16x256xf32>
    %mul3A_494 = arith.mulf %select_n3A_126, %select_n3A_104 : vector<16x256xf32>
    %mul3A_495 = arith.mulf %mul3A_494, %select_n3A_93 : vector<16x256xf32>
    %mul3A_496 = arith.mulf %mul3A_495, %select_n3A_82 : vector<16x256xf32>
    %mul3A_497 = arith.mulf %mul3A_496, %select_n3A_71 : vector<16x256xf32>
    %mul3A_498 = arith.mulf %mul3A_497, %select_n3A_60 : vector<16x256xf32>
    %mul3A_499 = arith.mulf %mul3A_498, %select_n3A_49 : vector<16x256xf32>
    %mul3A_500 = arith.mulf %select_n3A, %mul3A_498 : vector<16x256xf32>
    %mul3A_501 = arith.mulf %mul3A_488, %mul3A_497 : vector<16x256xf32>
    %mul3A_502 = arith.mulf %mul3A_489, %mul3A_496 : vector<16x256xf32>
    %mul3A_503 = arith.mulf %mul3A_490, %mul3A_495 : vector<16x256xf32>
    %mul3A_504 = arith.mulf %mul3A_491, %mul3A_494 : vector<16x256xf32>
    %mul3A_505 = arith.mulf %mul3A_492, %select_n3A_126 : vector<16x256xf32>
    %mul3A_506 = vector.broadcast %slice3A : vector<16x1xf32> to vector<16x256xf32>
    %mul3A_507 = arith.mulf %mul3A_506, %mul3A_499 : vector<16x256xf32>
    %mul3A_508 = vector.broadcast %slice3A_22 : vector<16x1xf32> to vector<16x256xf32>
    %mul3A_509 = arith.mulf %mul3A_508, %mul3A_500 : vector<16x256xf32>
    %add3A_510 = arith.addf %mul3A_507, %mul3A_509 : vector<16x256xf32>
    %mul3A_511 = vector.broadcast %slice3A_23 : vector<16x1xf32> to vector<16x256xf32>
    %mul3A_512 = arith.mulf %mul3A_511, %mul3A_501 : vector<16x256xf32>
    %add3A_513 = arith.addf %add3A_510, %mul3A_512 : vector<16x256xf32>
    %mul3A_514 = vector.broadcast %slice3A_24 : vector<16x1xf32> to vector<16x256xf32>
    %mul3A_515 = arith.mulf %mul3A_514, %mul3A_502 : vector<16x256xf32>
    %add3A_516 = arith.addf %add3A_513, %mul3A_515 : vector<16x256xf32>
    %mul3A_517 = vector.broadcast %slice3A_25 : vector<16x1xf32> to vector<16x256xf32>
    %mul3A_518 = arith.mulf %mul3A_517, %mul3A_503 : vector<16x256xf32>
    %add3A_519 = arith.addf %add3A_516, %mul3A_518 : vector<16x256xf32>
    %mul3A_520 = vector.broadcast %slice3A_26 : vector<16x1xf32> to vector<16x256xf32>
    %mul3A_521 = arith.mulf %mul3A_520, %mul3A_504 : vector<16x256xf32>
    %add3A_522 = arith.addf %add3A_519, %mul3A_521 : vector<16x256xf32>
    %mul3A_523 = vector.broadcast %slice3A_27 : vector<16x1xf32> to vector<16x256xf32>
    %mul3A_524 = arith.mulf %mul3A_523, %mul3A_505 : vector<16x256xf32>
    %add3A_525 = arith.addf %add3A_522, %mul3A_524 : vector<16x256xf32>
    %mul3A_526 = vector.broadcast %slice3A_29 : vector<16x1xf32> to vector<16x256xf32>
    %mul3A_527 = arith.mulf %mul3A_526, %mul3A_493 : vector<16x256xf32>
    %add3A_528 = arith.addf %add3A_525, %mul3A_527 : vector<16x256xf32>
    %mul3A_529 = vector.broadcast %slice3A_28 : vector<16x1xf32> to vector<16x256xf32>
    %mul3A_530 = arith.mulf %mul3A_529, %add3A_528 : vector<16x256xf32>
    %add3A_531 = arith.addf %add3A_487, %mul3A_530 : vector<16x256xf32>
    %mul3A_532 = arith.mulf %select_n3A, %select_n3A_49 : vector<16x256xf32>
    %mul3A_533 = arith.mulf %mul3A_532, %select_n3A_60 : vector<16x256xf32>
    %mul3A_534 = arith.mulf %mul3A_533, %select_n3A_71 : vector<16x256xf32>
    %mul3A_535 = arith.mulf %mul3A_534, %select_n3A_82 : vector<16x256xf32>
    %mul3A_536 = arith.mulf %mul3A_535, %select_n3A_93 : vector<16x256xf32>
    %mul3A_537 = arith.mulf %mul3A_536, %select_n3A_104 : vector<16x256xf32>
    %mul3A_538 = arith.mulf %select_n3A_115, %select_n3A_104 : vector<16x256xf32>
    %mul3A_539 = arith.mulf %mul3A_538, %select_n3A_93 : vector<16x256xf32>
    %mul3A_540 = arith.mulf %mul3A_539, %select_n3A_82 : vector<16x256xf32>
    %mul3A_541 = arith.mulf %mul3A_540, %select_n3A_71 : vector<16x256xf32>
    %mul3A_542 = arith.mulf %mul3A_541, %select_n3A_60 : vector<16x256xf32>
    %mul3A_543 = arith.mulf %mul3A_542, %select_n3A_49 : vector<16x256xf32>
    %mul3A_544 = arith.mulf %select_n3A, %mul3A_542 : vector<16x256xf32>
    %mul3A_545 = arith.mulf %mul3A_532, %mul3A_541 : vector<16x256xf32>
    %mul3A_546 = arith.mulf %mul3A_533, %mul3A_540 : vector<16x256xf32>
    %mul3A_547 = arith.mulf %mul3A_534, %mul3A_539 : vector<16x256xf32>
    %mul3A_548 = arith.mulf %mul3A_535, %mul3A_538 : vector<16x256xf32>
    %mul3A_549 = arith.mulf %mul3A_536, %select_n3A_115 : vector<16x256xf32>
    %mul3A_550 = vector.broadcast %slice3A : vector<16x1xf32> to vector<16x256xf32>
    %mul3A_551 = arith.mulf %mul3A_550, %mul3A_543 : vector<16x256xf32>
    %mul3A_552 = vector.broadcast %slice3A_22 : vector<16x1xf32> to vector<16x256xf32>
    %mul3A_553 = arith.mulf %mul3A_552, %mul3A_544 : vector<16x256xf32>
    %add3A_554 = arith.addf %mul3A_551, %mul3A_553 : vector<16x256xf32>
    %mul3A_555 = vector.broadcast %slice3A_23 : vector<16x1xf32> to vector<16x256xf32>
    %mul3A_556 = arith.mulf %mul3A_555, %mul3A_545 : vector<16x256xf32>
    %add3A_557 = arith.addf %add3A_554, %mul3A_556 : vector<16x256xf32>
    %mul3A_558 = vector.broadcast %slice3A_24 : vector<16x1xf32> to vector<16x256xf32>
    %mul3A_559 = arith.mulf %mul3A_558, %mul3A_546 : vector<16x256xf32>
    %add3A_560 = arith.addf %add3A_557, %mul3A_559 : vector<16x256xf32>
    %mul3A_561 = vector.broadcast %slice3A_25 : vector<16x1xf32> to vector<16x256xf32>
    %mul3A_562 = arith.mulf %mul3A_561, %mul3A_547 : vector<16x256xf32>
    %add3A_563 = arith.addf %add3A_560, %mul3A_562 : vector<16x256xf32>
    %mul3A_564 = vector.broadcast %slice3A_26 : vector<16x1xf32> to vector<16x256xf32>
    %mul3A_565 = arith.mulf %mul3A_564, %mul3A_548 : vector<16x256xf32>
    %add3A_566 = arith.addf %add3A_563, %mul3A_565 : vector<16x256xf32>
    %mul3A_567 = vector.broadcast %slice3A_27 : vector<16x1xf32> to vector<16x256xf32>
    %mul3A_568 = arith.mulf %mul3A_567, %mul3A_549 : vector<16x256xf32>
    %add3A_569 = arith.addf %add3A_566, %mul3A_568 : vector<16x256xf32>
    %mul3A_570 = vector.broadcast %slice3A_28 : vector<16x1xf32> to vector<16x256xf32>
    %mul3A_571 = arith.mulf %mul3A_570, %mul3A_537 : vector<16x256xf32>
    %add3A_572 = arith.addf %add3A_569, %mul3A_571 : vector<16x256xf32>
    %mul3A_573 = vector.broadcast %slice3A_29 : vector<16x1xf32> to vector<16x256xf32>
    %mul3A_574 = arith.mulf %mul3A_573, %add3A_572 : vector<16x256xf32>
    %add3A_575 = arith.addf %add3A_531, %mul3A_574 : vector<16x256xf32>
    %mul3A_576 = arith.constant 1.280000e+02 : f32
    %mul3A_577 = vector.broadcast %mul3A_576 : f32 to vector<16x256xf32>
    %mul3A_578 = arith.mulf %add3A_180, %mul3A_577 : vector<16x256xf32>
    %mul3A_579 = arith.constant 1.638400e+04 : f32
    %mul3A_580 = vector.broadcast %mul3A_579 : f32 to vector<16x256xf32>
    %mul3A_581 = arith.mulf %add3A_575, %mul3A_580 : vector<16x256xf32>
    %convert_element_type3A = arith.fptosi %mul3A_11 : vector<1x256xf32> to vector<1x256xi32>
    %iota3A_582 = tpu.iota {dimensions = array<i32: 0>} : vector<513x256xi32>
    %sub3A_583 = vector.broadcast %convert_element_type3A : vector<1x256xi32> to vector<513x256xi32>
    %sub3A_584 = arith.subi %iota3A_582, %sub3A_583 : vector<513x256xi32>
    %broadcast_in_dim3A_585 = arith.constant 0.000000e+00 : f32
    %broadcast_in_dim3A_586 = vector.broadcast %broadcast_in_dim3A_585 : f32 to vector<513x256xf32>
    %broadcast_in_dim3A_587 = arith.constant 0.000000e+00 : f32
    %broadcast_in_dim3A_588 = vector.broadcast %broadcast_in_dim3A_587 : f32 to vector<513x256xf32>
    %broadcast_in_dim3A_589 = arith.constant 0.000000e+00 : f32
    %broadcast_in_dim3A_590 = vector.broadcast %broadcast_in_dim3A_589 : f32 to vector<513x256xf32>
    %eq3A_591 = arith.constant 0 : i32
    %eq3A_592 = vector.broadcast %eq3A_591 : i32 to vector<513x256xi32>
    %eq3A_593 = arith.cmpi eq, %sub3A_584, %eq3A_592 : vector<513x256xi32>
    %slice3A_594 = vector.extract_strided_slice %mul3A_134 {offsets = [0, 0], sizes = [1, 256], strides = [1, 1]} : vector<16x256xf32> to vector<1x256xf32>
    %broadcast_in_dim3A_595 = vector.shape_cast %slice3A_594 : vector<1x256xf32> to vector<1x256xf32>
    %broadcast_in_dim3A_596 = vector.broadcast %broadcast_in_dim3A_595 : vector<1x256xf32> to vector<513x256xf32>
    %select_n3A_597 = arith.select %eq3A_593, %broadcast_in_dim3A_596, %broadcast_in_dim3A_586 : vector<513x256xi1>, vector<513x256xf32>
    %slice3A_598 = vector.extract_strided_slice %mul3A_578 {offsets = [0, 0], sizes = [1, 256], strides = [1, 1]} : vector<16x256xf32> to vector<1x256xf32>
    %broadcast_in_dim3A_599 = vector.shape_cast %slice3A_598 : vector<1x256xf32> to vector<1x256xf32>
    %broadcast_in_dim3A_600 = vector.broadcast %broadcast_in_dim3A_599 : vector<1x256xf32> to vector<513x256xf32>
    %select_n3A_601 = arith.select %eq3A_593, %broadcast_in_dim3A_600, %broadcast_in_dim3A_588 : vector<513x256xi1>, vector<513x256xf32>
    %slice3A_602 = vector.extract_strided_slice %mul3A_581 {offsets = [0, 0], sizes = [1, 256], strides = [1, 1]} : vector<16x256xf32> to vector<1x256xf32>
    %broadcast_in_dim3A_603 = vector.shape_cast %slice3A_602 : vector<1x256xf32> to vector<1x256xf32>
    %broadcast_in_dim3A_604 = vector.broadcast %broadcast_in_dim3A_603 : vector<1x256xf32> to vector<513x256xf32>
    %select_n3A_605 = arith.select %eq3A_593, %broadcast_in_dim3A_604, %broadcast_in_dim3A_590 : vector<513x256xi1>, vector<513x256xf32>
    %eq3A_606 = arith.constant 1 : i32
    %eq3A_607 = vector.broadcast %eq3A_606 : i32 to vector<513x256xi32>
    %eq3A_608 = arith.cmpi eq, %sub3A_584, %eq3A_607 : vector<513x256xi32>
    %slice3A_609 = vector.extract_strided_slice %mul3A_134 {offsets = [1, 0], sizes = [1, 256], strides = [1, 1]} : vector<16x256xf32> to vector<1x256xf32>
    %broadcast_in_dim3A_610 = vector.shape_cast %slice3A_609 : vector<1x256xf32> to vector<1x256xf32>
    %broadcast_in_dim3A_611 = vector.broadcast %broadcast_in_dim3A_610 : vector<1x256xf32> to vector<513x256xf32>
    %select_n3A_612 = arith.select %eq3A_608, %broadcast_in_dim3A_611, %select_n3A_597 : vector<513x256xi1>, vector<513x256xf32>
    %slice3A_613 = vector.extract_strided_slice %mul3A_578 {offsets = [1, 0], sizes = [1, 256], strides = [1, 1]} : vector<16x256xf32> to vector<1x256xf32>
    %broadcast_in_dim3A_614 = vector.shape_cast %slice3A_613 : vector<1x256xf32> to vector<1x256xf32>
    %broadcast_in_dim3A_615 = vector.broadcast %broadcast_in_dim3A_614 : vector<1x256xf32> to vector<513x256xf32>
    %select_n3A_616 = arith.select %eq3A_608, %broadcast_in_dim3A_615, %select_n3A_601 : vector<513x256xi1>, vector<513x256xf32>
    %slice3A_617 = vector.extract_strided_slice %mul3A_581 {offsets = [1, 0], sizes = [1, 256], strides = [1, 1]} : vector<16x256xf32> to vector<1x256xf32>
    %broadcast_in_dim3A_618 = vector.shape_cast %slice3A_617 : vector<1x256xf32> to vector<1x256xf32>
    %broadcast_in_dim3A_619 = vector.broadcast %broadcast_in_dim3A_618 : vector<1x256xf32> to vector<513x256xf32>
    %select_n3A_620 = arith.select %eq3A_608, %broadcast_in_dim3A_619, %select_n3A_605 : vector<513x256xi1>, vector<513x256xf32>
    %eq3A_621 = arith.constant 2 : i32
    %eq3A_622 = vector.broadcast %eq3A_621 : i32 to vector<513x256xi32>
    %eq3A_623 = arith.cmpi eq, %sub3A_584, %eq3A_622 : vector<513x256xi32>
    %slice3A_624 = vector.extract_strided_slice %mul3A_134 {offsets = [2, 0], sizes = [1, 256], strides = [1, 1]} : vector<16x256xf32> to vector<1x256xf32>
    %broadcast_in_dim3A_625 = vector.shape_cast %slice3A_624 : vector<1x256xf32> to vector<1x256xf32>
    %broadcast_in_dim3A_626 = vector.broadcast %broadcast_in_dim3A_625 : vector<1x256xf32> to vector<513x256xf32>
    %select_n3A_627 = arith.select %eq3A_623, %broadcast_in_dim3A_626, %select_n3A_612 : vector<513x256xi1>, vector<513x256xf32>
    %slice3A_628 = vector.extract_strided_slice %mul3A_578 {offsets = [2, 0], sizes = [1, 256], strides = [1, 1]} : vector<16x256xf32> to vector<1x256xf32>
    %broadcast_in_dim3A_629 = vector.shape_cast %slice3A_628 : vector<1x256xf32> to vector<1x256xf32>
    %broadcast_in_dim3A_630 = vector.broadcast %broadcast_in_dim3A_629 : vector<1x256xf32> to vector<513x256xf32>
    %select_n3A_631 = arith.select %eq3A_623, %broadcast_in_dim3A_630, %select_n3A_616 : vector<513x256xi1>, vector<513x256xf32>
    %slice3A_632 = vector.extract_strided_slice %mul3A_581 {offsets = [2, 0], sizes = [1, 256], strides = [1, 1]} : vector<16x256xf32> to vector<1x256xf32>
    %broadcast_in_dim3A_633 = vector.shape_cast %slice3A_632 : vector<1x256xf32> to vector<1x256xf32>
    %broadcast_in_dim3A_634 = vector.broadcast %broadcast_in_dim3A_633 : vector<1x256xf32> to vector<513x256xf32>
    %select_n3A_635 = arith.select %eq3A_623, %broadcast_in_dim3A_634, %select_n3A_620 : vector<513x256xi1>, vector<513x256xf32>
    %eq3A_636 = arith.constant 3 : i32
    %eq3A_637 = vector.broadcast %eq3A_636 : i32 to vector<513x256xi32>
    %eq3A_638 = arith.cmpi eq, %sub3A_584, %eq3A_637 : vector<513x256xi32>
    %slice3A_639 = vector.extract_strided_slice %mul3A_134 {offsets = [3, 0], sizes = [1, 256], strides = [1, 1]} : vector<16x256xf32> to vector<1x256xf32>
    %broadcast_in_dim3A_640 = vector.shape_cast %slice3A_639 : vector<1x256xf32> to vector<1x256xf32>
    %broadcast_in_dim3A_641 = vector.broadcast %broadcast_in_dim3A_640 : vector<1x256xf32> to vector<513x256xf32>
    %select_n3A_642 = arith.select %eq3A_638, %broadcast_in_dim3A_641, %select_n3A_627 : vector<513x256xi1>, vector<513x256xf32>
    %slice3A_643 = vector.extract_strided_slice %mul3A_578 {offsets = [3, 0], sizes = [1, 256], strides = [1, 1]} : vector<16x256xf32> to vector<1x256xf32>
    %broadcast_in_dim3A_644 = vector.shape_cast %slice3A_643 : vector<1x256xf32> to vector<1x256xf32>
    %broadcast_in_dim3A_645 = vector.broadcast %broadcast_in_dim3A_644 : vector<1x256xf32> to vector<513x256xf32>
    %select_n3A_646 = arith.select %eq3A_638, %broadcast_in_dim3A_645, %select_n3A_631 : vector<513x256xi1>, vector<513x256xf32>
    %slice3A_647 = vector.extract_strided_slice %mul3A_581 {offsets = [3, 0], sizes = [1, 256], strides = [1, 1]} : vector<16x256xf32> to vector<1x256xf32>
    %broadcast_in_dim3A_648 = vector.shape_cast %slice3A_647 : vector<1x256xf32> to vector<1x256xf32>
    %broadcast_in_dim3A_649 = vector.broadcast %broadcast_in_dim3A_648 : vector<1x256xf32> to vector<513x256xf32>
    %select_n3A_650 = arith.select %eq3A_638, %broadcast_in_dim3A_649, %select_n3A_635 : vector<513x256xi1>, vector<513x256xf32>
    %eq3A_651 = arith.constant 4 : i32
    %eq3A_652 = vector.broadcast %eq3A_651 : i32 to vector<513x256xi32>
    %eq3A_653 = arith.cmpi eq, %sub3A_584, %eq3A_652 : vector<513x256xi32>
    %slice3A_654 = vector.extract_strided_slice %mul3A_134 {offsets = [4, 0], sizes = [1, 256], strides = [1, 1]} : vector<16x256xf32> to vector<1x256xf32>
    %broadcast_in_dim3A_655 = vector.shape_cast %slice3A_654 : vector<1x256xf32> to vector<1x256xf32>
    %broadcast_in_dim3A_656 = vector.broadcast %broadcast_in_dim3A_655 : vector<1x256xf32> to vector<513x256xf32>
    %select_n3A_657 = arith.select %eq3A_653, %broadcast_in_dim3A_656, %select_n3A_642 : vector<513x256xi1>, vector<513x256xf32>
    %slice3A_658 = vector.extract_strided_slice %mul3A_578 {offsets = [4, 0], sizes = [1, 256], strides = [1, 1]} : vector<16x256xf32> to vector<1x256xf32>
    %broadcast_in_dim3A_659 = vector.shape_cast %slice3A_658 : vector<1x256xf32> to vector<1x256xf32>
    %broadcast_in_dim3A_660 = vector.broadcast %broadcast_in_dim3A_659 : vector<1x256xf32> to vector<513x256xf32>
    %select_n3A_661 = arith.select %eq3A_653, %broadcast_in_dim3A_660, %select_n3A_646 : vector<513x256xi1>, vector<513x256xf32>
    %slice3A_662 = vector.extract_strided_slice %mul3A_581 {offsets = [4, 0], sizes = [1, 256], strides = [1, 1]} : vector<16x256xf32> to vector<1x256xf32>
    %broadcast_in_dim3A_663 = vector.shape_cast %slice3A_662 : vector<1x256xf32> to vector<1x256xf32>
    %broadcast_in_dim3A_664 = vector.broadcast %broadcast_in_dim3A_663 : vector<1x256xf32> to vector<513x256xf32>
    %select_n3A_665 = arith.select %eq3A_653, %broadcast_in_dim3A_664, %select_n3A_650 : vector<513x256xi1>, vector<513x256xf32>
    %eq3A_666 = arith.constant 5 : i32
    %eq3A_667 = vector.broadcast %eq3A_666 : i32 to vector<513x256xi32>
    %eq3A_668 = arith.cmpi eq, %sub3A_584, %eq3A_667 : vector<513x256xi32>
    %slice3A_669 = vector.extract_strided_slice %mul3A_134 {offsets = [5, 0], sizes = [1, 256], strides = [1, 1]} : vector<16x256xf32> to vector<1x256xf32>
    %broadcast_in_dim3A_670 = vector.shape_cast %slice3A_669 : vector<1x256xf32> to vector<1x256xf32>
    %broadcast_in_dim3A_671 = vector.broadcast %broadcast_in_dim3A_670 : vector<1x256xf32> to vector<513x256xf32>
    %select_n3A_672 = arith.select %eq3A_668, %broadcast_in_dim3A_671, %select_n3A_657 : vector<513x256xi1>, vector<513x256xf32>
    %slice3A_673 = vector.extract_strided_slice %mul3A_578 {offsets = [5, 0], sizes = [1, 256], strides = [1, 1]} : vector<16x256xf32> to vector<1x256xf32>
    %broadcast_in_dim3A_674 = vector.shape_cast %slice3A_673 : vector<1x256xf32> to vector<1x256xf32>
    %broadcast_in_dim3A_675 = vector.broadcast %broadcast_in_dim3A_674 : vector<1x256xf32> to vector<513x256xf32>
    %select_n3A_676 = arith.select %eq3A_668, %broadcast_in_dim3A_675, %select_n3A_661 : vector<513x256xi1>, vector<513x256xf32>
    %slice3A_677 = vector.extract_strided_slice %mul3A_581 {offsets = [5, 0], sizes = [1, 256], strides = [1, 1]} : vector<16x256xf32> to vector<1x256xf32>
    %broadcast_in_dim3A_678 = vector.shape_cast %slice3A_677 : vector<1x256xf32> to vector<1x256xf32>
    %broadcast_in_dim3A_679 = vector.broadcast %broadcast_in_dim3A_678 : vector<1x256xf32> to vector<513x256xf32>
    %select_n3A_680 = arith.select %eq3A_668, %broadcast_in_dim3A_679, %select_n3A_665 : vector<513x256xi1>, vector<513x256xf32>
    %eq3A_681 = arith.constant 6 : i32
    %eq3A_682 = vector.broadcast %eq3A_681 : i32 to vector<513x256xi32>
    %eq3A_683 = arith.cmpi eq, %sub3A_584, %eq3A_682 : vector<513x256xi32>
    %slice3A_684 = vector.extract_strided_slice %mul3A_134 {offsets = [6, 0], sizes = [1, 256], strides = [1, 1]} : vector<16x256xf32> to vector<1x256xf32>
    %broadcast_in_dim3A_685 = vector.shape_cast %slice3A_684 : vector<1x256xf32> to vector<1x256xf32>
    %broadcast_in_dim3A_686 = vector.broadcast %broadcast_in_dim3A_685 : vector<1x256xf32> to vector<513x256xf32>
    %select_n3A_687 = arith.select %eq3A_683, %broadcast_in_dim3A_686, %select_n3A_672 : vector<513x256xi1>, vector<513x256xf32>
    %slice3A_688 = vector.extract_strided_slice %mul3A_578 {offsets = [6, 0], sizes = [1, 256], strides = [1, 1]} : vector<16x256xf32> to vector<1x256xf32>
    %broadcast_in_dim3A_689 = vector.shape_cast %slice3A_688 : vector<1x256xf32> to vector<1x256xf32>
    %broadcast_in_dim3A_690 = vector.broadcast %broadcast_in_dim3A_689 : vector<1x256xf32> to vector<513x256xf32>
    %select_n3A_691 = arith.select %eq3A_683, %broadcast_in_dim3A_690, %select_n3A_676 : vector<513x256xi1>, vector<513x256xf32>
    %slice3A_692 = vector.extract_strided_slice %mul3A_581 {offsets = [6, 0], sizes = [1, 256], strides = [1, 1]} : vector<16x256xf32> to vector<1x256xf32>
    %broadcast_in_dim3A_693 = vector.shape_cast %slice3A_692 : vector<1x256xf32> to vector<1x256xf32>
    %broadcast_in_dim3A_694 = vector.broadcast %broadcast_in_dim3A_693 : vector<1x256xf32> to vector<513x256xf32>
    %select_n3A_695 = arith.select %eq3A_683, %broadcast_in_dim3A_694, %select_n3A_680 : vector<513x256xi1>, vector<513x256xf32>
    %eq3A_696 = arith.constant 7 : i32
    %eq3A_697 = vector.broadcast %eq3A_696 : i32 to vector<513x256xi32>
    %eq3A_698 = arith.cmpi eq, %sub3A_584, %eq3A_697 : vector<513x256xi32>
    %slice3A_699 = vector.extract_strided_slice %mul3A_134 {offsets = [7, 0], sizes = [1, 256], strides = [1, 1]} : vector<16x256xf32> to vector<1x256xf32>
    %broadcast_in_dim3A_700 = vector.shape_cast %slice3A_699 : vector<1x256xf32> to vector<1x256xf32>
    %broadcast_in_dim3A_701 = vector.broadcast %broadcast_in_dim3A_700 : vector<1x256xf32> to vector<513x256xf32>
    %select_n3A_702 = arith.select %eq3A_698, %broadcast_in_dim3A_701, %select_n3A_687 : vector<513x256xi1>, vector<513x256xf32>
    %slice3A_703 = vector.extract_strided_slice %mul3A_578 {offsets = [7, 0], sizes = [1, 256], strides = [1, 1]} : vector<16x256xf32> to vector<1x256xf32>
    %broadcast_in_dim3A_704 = vector.shape_cast %slice3A_703 : vector<1x256xf32> to vector<1x256xf32>
    %broadcast_in_dim3A_705 = vector.broadcast %broadcast_in_dim3A_704 : vector<1x256xf32> to vector<513x256xf32>
    %select_n3A_706 = arith.select %eq3A_698, %broadcast_in_dim3A_705, %select_n3A_691 : vector<513x256xi1>, vector<513x256xf32>
    %slice3A_707 = vector.extract_strided_slice %mul3A_581 {offsets = [7, 0], sizes = [1, 256], strides = [1, 1]} : vector<16x256xf32> to vector<1x256xf32>
    %broadcast_in_dim3A_708 = vector.shape_cast %slice3A_707 : vector<1x256xf32> to vector<1x256xf32>
    %broadcast_in_dim3A_709 = vector.broadcast %broadcast_in_dim3A_708 : vector<1x256xf32> to vector<513x256xf32>
    %select_n3A_710 = arith.select %eq3A_698, %broadcast_in_dim3A_709, %select_n3A_695 : vector<513x256xi1>, vector<513x256xf32>
    %eq3A_711 = arith.constant 8 : i32
    %eq3A_712 = vector.broadcast %eq3A_711 : i32 to vector<513x256xi32>
    %eq3A_713 = arith.cmpi eq, %sub3A_584, %eq3A_712 : vector<513x256xi32>
    %slice3A_714 = vector.extract_strided_slice %mul3A_134 {offsets = [8, 0], sizes = [1, 256], strides = [1, 1]} : vector<16x256xf32> to vector<1x256xf32>
    %broadcast_in_dim3A_715 = vector.shape_cast %slice3A_714 : vector<1x256xf32> to vector<1x256xf32>
    %broadcast_in_dim3A_716 = vector.broadcast %broadcast_in_dim3A_715 : vector<1x256xf32> to vector<513x256xf32>
    %select_n3A_717 = arith.select %eq3A_713, %broadcast_in_dim3A_716, %select_n3A_702 : vector<513x256xi1>, vector<513x256xf32>
    %slice3A_718 = vector.extract_strided_slice %mul3A_578 {offsets = [8, 0], sizes = [1, 256], strides = [1, 1]} : vector<16x256xf32> to vector<1x256xf32>
    %broadcast_in_dim3A_719 = vector.shape_cast %slice3A_718 : vector<1x256xf32> to vector<1x256xf32>
    %broadcast_in_dim3A_720 = vector.broadcast %broadcast_in_dim3A_719 : vector<1x256xf32> to vector<513x256xf32>
    %select_n3A_721 = arith.select %eq3A_713, %broadcast_in_dim3A_720, %select_n3A_706 : vector<513x256xi1>, vector<513x256xf32>
    %slice3A_722 = vector.extract_strided_slice %mul3A_581 {offsets = [8, 0], sizes = [1, 256], strides = [1, 1]} : vector<16x256xf32> to vector<1x256xf32>
    %broadcast_in_dim3A_723 = vector.shape_cast %slice3A_722 : vector<1x256xf32> to vector<1x256xf32>
    %broadcast_in_dim3A_724 = vector.broadcast %broadcast_in_dim3A_723 : vector<1x256xf32> to vector<513x256xf32>
    %select_n3A_725 = arith.select %eq3A_713, %broadcast_in_dim3A_724, %select_n3A_710 : vector<513x256xi1>, vector<513x256xf32>
    %broadcast_in_dim3A_726 = vector.shape_cast %select_n3A_717 : vector<513x256xf32> to vector<1x513x256xf32>
    %swap3A = arith.constant 0 : index
    %swap3A_727 = arith.constant 0 : index
    %swap3A_728 = arith.constant 0 : index
    %swap3A_729 = vector.load %arg3[%swap3A, %swap3A_727, %swap3A_728] : memref<1x513x256xf32, #tpu.memory_space<vmem>>, vector<1x513x256xf32>
    tpu.vector_store %arg3[%swap3A, %swap3A_727, %swap3A_728], %broadcast_in_dim3A_726 {strides = array<i32>} : memref<1x513x256xf32, #tpu.memory_space<vmem>>, vector<1x513x256xf32>,
    %broadcast_in_dim3A_730 = vector.shape_cast %select_n3A_721 : vector<513x256xf32> to vector<1x513x256xf32>
    %swap3A_731 = arith.constant 0 : index
    %swap3A_732 = arith.constant 0 : index
    %swap3A_733 = arith.constant 0 : index
    %swap3A_734 = vector.load %arg4[%swap3A_731, %swap3A_732, %swap3A_733] : memref<1x513x256xf32, #tpu.memory_space<vmem>>, vector<1x513x256xf32>
    tpu.vector_store %arg4[%swap3A_731, %swap3A_732, %swap3A_733], %broadcast_in_dim3A_730 {strides = array<i32>} : memref<1x513x256xf32, #tpu.memory_space<vmem>>, vector<1x513x256xf32>,
    %broadcast_in_dim3A_735 = vector.shape_cast %select_n3A_725 : vector<513x256xf32> to vector<1x513x256xf32>
    %swap3A_736 = arith.constant 0 : index
    %swap3A_737 = arith.constant 0 : index
    %swap3A_738 = arith.constant 0 : index
    %swap3A_739 = vector.load %arg5[%swap3A_736, %swap3A_737, %swap3A_738] : memref<1x513x256xf32, #tpu.memory_space<vmem>>, vector<1x513x256xf32>
    tpu.vector_store %arg5[%swap3A_736, %swap3A_737, %swap3A_738], %broadcast_in_dim3A_735 {strides = array<i32>} : memref<1x513x256xf32, #tpu.memory_space<vmem>>, vector<1x513x256xf32>,
    %get3A_740 = arith.constant 0 : index
    %get3A_741 = arith.constant 0 : index
    %get3A_742 = vector.load %arg1[%get3A_740, %get3A_741] : memref<513x256xf32, #tpu.memory_space<vmem>>, vector<513x256xf32>
    %mul3A_743 = arith.mulf %get3A_742, %select_n3A_717 : vector<513x256xf32>
    %reduce_sum3A = arith.constant dense<0.000000e+00> : vector<256xf32>
    %reduce_sum3A_744 = vector.multi_reduction <add>, %mul3A_743, %reduce_sum3A [0] : vector<513x256xf32> to vector<256xf32>
    %broadcast_in_dim3A_745 = vector.shape_cast %reduce_sum3A_744 : vector<256xf32> to vector<1x256xf32>
    %swap3A_746 = arith.constant 0 : index
    %swap3A_747 = arith.constant 0 : index
    %swap3A_748 = vector.load %arg6[%swap3A_746, %swap3A_747] : memref<1x256xf32, #tpu.memory_space<vmem>>, vector<1x256xf32>
    tpu.vector_store %arg6[%swap3A_746, %swap3A_747], %broadcast_in_dim3A_745 {strides = array<i32>} : memref<1x256xf32, #tpu.memory_space<vmem>>, vector<1x256xf32>,
    %mul3A_749 = arith.mulf %get3A_742, %select_n3A_721 : vector<513x256xf32>
    %reduce_sum3A_750 = arith.constant dense<0.000000e+00> : vector<256xf32>
    %reduce_sum3A_751 = vector.multi_reduction <add>, %mul3A_749, %reduce_sum3A_750 [0] : vector<513x256xf32> to vector<256xf32>
    %broadcast_in_dim3A_752 = vector.shape_cast %reduce_sum3A_751 : vector<256xf32> to vector<1x256xf32>
    %swap3A_753 = arith.constant 0 : index
    %swap3A_754 = arith.constant 0 : index
    %swap3A_755 = vector.load %arg7[%swap3A_753, %swap3A_754] : memref<1x256xf32, #tpu.memory_space<vmem>>, vector<1x256xf32>
    tpu.vector_store %arg7[%swap3A_753, %swap3A_754], %broadcast_in_dim3A_752 {strides = array<i32>} : memref<1x256xf32, #tpu.memory_space<vmem>>, vector<1x256xf32>,
    %mul3A_756 = arith.mulf %get3A_742, %select_n3A_725 : vector<513x256xf32>
    %reduce_sum3A_757 = arith.constant dense<0.000000e+00> : vector<256xf32>
    %reduce_sum3A_758 = vector.multi_reduction <add>, %mul3A_756, %reduce_sum3A_757 [0] : vector<513x256xf32> to vector<256xf32>
    %broadcast_in_dim3A_759 = vector.shape_cast %reduce_sum3A_758 : vector<256xf32> to vector<1x256xf32>
    %swap3A_760 = arith.constant 0 : index
    %swap3A_761 = arith.constant 0 : index
    %swap3A_762 = vector.load %arg8[%swap3A_760, %swap3A_761] : memref<1x256xf32, #tpu.memory_space<vmem>>, vector<1x256xf32>
    tpu.vector_store %arg8[%swap3A_760, %swap3A_761], %broadcast_in_dim3A_759 {strides = array<i32>} : memref<1x256xf32, #tpu.memory_space<vmem>>, vector<1x256xf32>,
    return
  }
}

module attributes {stable_mosaic.version = 14 : i64} {
  func.func @_tc_phi_body(%arg0: memref<1xi32, #tpu.memory_space<smem>>, %arg1: memref<1x513x256xf32, #tpu.memory_space<vmem>>, %arg2: memref<1x513x256xf32, #tpu.memory_space<vmem>>, %arg3: memref<100x513x256xf32, #tpu.memory_space<hbm>>, %arg4: memref<100x513x256xf32, #tpu.memory_space<hbm>>, %arg5: memref<20x513x256xf32, #tpu.memory_space<vmem>>, %arg6: memref<!tpu.dma_semaphore, #tpu.memory_space<semaphore_mem>>, %arg7: memref<!tpu.dma_semaphore, #tpu.memory_space<semaphore_mem>>, %arg8: memref<!tpu.dma_semaphore, #tpu.memory_space<semaphore_mem>>) attributes {dimension_semantics = [], scalar_prefetch = 0 : i64, scratch_operands = 4 : i64, tpu.core_type = #tpu.core_type<tc>} {
    %broadcast_in_dim3A = arith.constant 0.000000e+00 : f32
    %broadcast_in_dim3A_0 = vector.broadcast %broadcast_in_dim3A : f32 to vector<20x513x256xf32>
    %swap3A = arith.constant 0 : index
    %swap3A_1 = arith.constant 0 : index
    %swap3A_2 = arith.constant 0 : index
    %swap3A_3 = vector.load %arg5[%swap3A, %swap3A_1, %swap3A_2] : memref<20x513x256xf32, #tpu.memory_space<vmem>>, vector<20x513x256xf32>
    tpu.vector_store %arg5[%swap3A, %swap3A_1, %swap3A_2], %broadcast_in_dim3A_0 {strides = array<i32>} : memref<20x513x256xf32, #tpu.memory_space<vmem>>, vector<20x513x256xf32>,
    %dma_start3A = arith.constant 0 : i32
    %dma_start3A_4 = arith.constant 0 : i32
    %dma_start3A_5 = arith.constant 0 : i32
    %dma_start3A_6 = tpu.memref_slice %arg3[%dma_start3A, %dma_start3A_4, %dma_start3A_5] : memref<100x513x256xf32, #tpu.memory_space<hbm>> -> memref<20x513x256xf32, #tpu.memory_space<hbm>>
    tpu.enqueue_dma source(%arg5 : memref<20x513x256xf32, #tpu.memory_space<vmem>>) target(%dma_start3A_6 : memref<20x513x256xf32, #tpu.memory_space<hbm>>) target_semaphore(%arg6 : memref<!tpu.dma_semaphore, #tpu.memory_space<semaphore_mem>>)
    %dma_start3A_7 = arith.constant 0 : i32
    %dma_start3A_8 = arith.constant 0 : i32
    %dma_start3A_9 = arith.constant 0 : i32
    %dma_start3A_10 = tpu.memref_slice %arg4[%dma_start3A_7, %dma_start3A_8, %dma_start3A_9] : memref<100x513x256xf32, #tpu.memory_space<hbm>> -> memref<20x513x256xf32, #tpu.memory_space<hbm>>
    tpu.enqueue_dma source(%arg5 : memref<20x513x256xf32, #tpu.memory_space<vmem>>) target(%dma_start3A_10 : memref<20x513x256xf32, #tpu.memory_space<hbm>>) target_semaphore(%arg7 : memref<!tpu.dma_semaphore, #tpu.memory_space<semaphore_mem>>)
    %dma_start3A_11 = arith.constant 20 : i32
    %dma_start3A_12 = arith.constant 0 : i32
    %dma_start3A_13 = arith.constant 0 : i32
    %dma_start3A_14 = tpu.memref_slice %arg3[%dma_start3A_11, %dma_start3A_12, %dma_start3A_13] : memref<100x513x256xf32, #tpu.memory_space<hbm>> -> memref<20x513x256xf32, #tpu.memory_space<hbm>>
    tpu.enqueue_dma source(%arg5 : memref<20x513x256xf32, #tpu.memory_space<vmem>>) target(%dma_start3A_14 : memref<20x513x256xf32, #tpu.memory_space<hbm>>) target_semaphore(%arg6 : memref<!tpu.dma_semaphore, #tpu.memory_space<semaphore_mem>>)
    %dma_start3A_15 = arith.constant 20 : i32
    %dma_start3A_16 = arith.constant 0 : i32
    %dma_start3A_17 = arith.constant 0 : i32
    %dma_start3A_18 = tpu.memref_slice %arg4[%dma_start3A_15, %dma_start3A_16, %dma_start3A_17] : memref<100x513x256xf32, #tpu.memory_space<hbm>> -> memref<20x513x256xf32, #tpu.memory_space<hbm>>
    tpu.enqueue_dma source(%arg5 : memref<20x513x256xf32, #tpu.memory_space<vmem>>) target(%dma_start3A_18 : memref<20x513x256xf32, #tpu.memory_space<hbm>>) target_semaphore(%arg7 : memref<!tpu.dma_semaphore, #tpu.memory_space<semaphore_mem>>)
    %dma_start3A_19 = arith.constant 40 : i32
    %dma_start3A_20 = arith.constant 0 : i32
    %dma_start3A_21 = arith.constant 0 : i32
    %dma_start3A_22 = tpu.memref_slice %arg3[%dma_start3A_19, %dma_start3A_20, %dma_start3A_21] : memref<100x513x256xf32, #tpu.memory_space<hbm>> -> memref<20x513x256xf32, #tpu.memory_space<hbm>>
    tpu.enqueue_dma source(%arg5 : memref<20x513x256xf32, #tpu.memory_space<vmem>>) target(%dma_start3A_22 : memref<20x513x256xf32, #tpu.memory_space<hbm>>) target_semaphore(%arg6 : memref<!tpu.dma_semaphore, #tpu.memory_space<semaphore_mem>>)
    %dma_start3A_23 = arith.constant 40 : i32
    %dma_start3A_24 = arith.constant 0 : i32
    %dma_start3A_25 = arith.constant 0 : i32
    %dma_start3A_26 = tpu.memref_slice %arg4[%dma_start3A_23, %dma_start3A_24, %dma_start3A_25] : memref<100x513x256xf32, #tpu.memory_space<hbm>> -> memref<20x513x256xf32, #tpu.memory_space<hbm>>
    tpu.enqueue_dma source(%arg5 : memref<20x513x256xf32, #tpu.memory_space<vmem>>) target(%dma_start3A_26 : memref<20x513x256xf32, #tpu.memory_space<hbm>>) target_semaphore(%arg7 : memref<!tpu.dma_semaphore, #tpu.memory_space<semaphore_mem>>)
    %dma_start3A_27 = arith.constant 60 : i32
    %dma_start3A_28 = arith.constant 0 : i32
    %dma_start3A_29 = arith.constant 0 : i32
    %dma_start3A_30 = tpu.memref_slice %arg3[%dma_start3A_27, %dma_start3A_28, %dma_start3A_29] : memref<100x513x256xf32, #tpu.memory_space<hbm>> -> memref<20x513x256xf32, #tpu.memory_space<hbm>>
    tpu.enqueue_dma source(%arg5 : memref<20x513x256xf32, #tpu.memory_space<vmem>>) target(%dma_start3A_30 : memref<20x513x256xf32, #tpu.memory_space<hbm>>) target_semaphore(%arg6 : memref<!tpu.dma_semaphore, #tpu.memory_space<semaphore_mem>>)
    %dma_start3A_31 = arith.constant 60 : i32
    %dma_start3A_32 = arith.constant 0 : i32
    %dma_start3A_33 = arith.constant 0 : i32
    %dma_start3A_34 = tpu.memref_slice %arg4[%dma_start3A_31, %dma_start3A_32, %dma_start3A_33] : memref<100x513x256xf32, #tpu.memory_space<hbm>> -> memref<20x513x256xf32, #tpu.memory_space<hbm>>
    tpu.enqueue_dma source(%arg5 : memref<20x513x256xf32, #tpu.memory_space<vmem>>) target(%dma_start3A_34 : memref<20x513x256xf32, #tpu.memory_space<hbm>>) target_semaphore(%arg7 : memref<!tpu.dma_semaphore, #tpu.memory_space<semaphore_mem>>)
    %dma_start3A_35 = arith.constant 80 : i32
    %dma_start3A_36 = arith.constant 0 : i32
    %dma_start3A_37 = arith.constant 0 : i32
    %dma_start3A_38 = tpu.memref_slice %arg3[%dma_start3A_35, %dma_start3A_36, %dma_start3A_37] : memref<100x513x256xf32, #tpu.memory_space<hbm>> -> memref<20x513x256xf32, #tpu.memory_space<hbm>>
    tpu.enqueue_dma source(%arg5 : memref<20x513x256xf32, #tpu.memory_space<vmem>>) target(%dma_start3A_38 : memref<20x513x256xf32, #tpu.memory_space<hbm>>) target_semaphore(%arg6 : memref<!tpu.dma_semaphore, #tpu.memory_space<semaphore_mem>>)
    %dma_start3A_39 = arith.constant 80 : i32
    %dma_start3A_40 = arith.constant 0 : i32
    %dma_start3A_41 = arith.constant 0 : i32
    %dma_start3A_42 = tpu.memref_slice %arg4[%dma_start3A_39, %dma_start3A_40, %dma_start3A_41] : memref<100x513x256xf32, #tpu.memory_space<hbm>> -> memref<20x513x256xf32, #tpu.memory_space<hbm>>
    tpu.enqueue_dma source(%arg5 : memref<20x513x256xf32, #tpu.memory_space<vmem>>) target(%dma_start3A_42 : memref<20x513x256xf32, #tpu.memory_space<hbm>>) target_semaphore(%arg7 : memref<!tpu.dma_semaphore, #tpu.memory_space<semaphore_mem>>)
    %dma_wait3A = arith.constant 0 : i32
    %dma_wait3A_43 = arith.constant 0 : i32
    %dma_wait3A_44 = arith.constant 0 : i32
    %dma_wait3A_45 = tpu.memref_slice %arg3[%dma_wait3A, %dma_wait3A_43, %dma_wait3A_44] : memref<100x513x256xf32, #tpu.memory_space<hbm>> -> memref<20x513x256xf32, #tpu.memory_space<hbm>>
    tpu.wait_dma2 semaphore(%arg6 : memref<!tpu.dma_semaphore, #tpu.memory_space<semaphore_mem>>) src(%arg5 : memref<20x513x256xf32, #tpu.memory_space<vmem>>) dst(%dma_wait3A_45 : memref<20x513x256xf32, #tpu.memory_space<hbm>>)
    %dma_wait3A_46 = arith.constant 0 : i32
    %dma_wait3A_47 = arith.constant 0 : i32
    %dma_wait3A_48 = arith.constant 0 : i32
    %dma_wait3A_49 = tpu.memref_slice %arg4[%dma_wait3A_46, %dma_wait3A_47, %dma_wait3A_48] : memref<100x513x256xf32, #tpu.memory_space<hbm>> -> memref<20x513x256xf32, #tpu.memory_space<hbm>>
    tpu.wait_dma2 semaphore(%arg7 : memref<!tpu.dma_semaphore, #tpu.memory_space<semaphore_mem>>) src(%arg5 : memref<20x513x256xf32, #tpu.memory_space<vmem>>) dst(%dma_wait3A_49 : memref<20x513x256xf32, #tpu.memory_space<hbm>>)
    %dma_wait3A_50 = arith.constant 20 : i32
    %dma_wait3A_51 = arith.constant 0 : i32
    %dma_wait3A_52 = arith.constant 0 : i32
    %dma_wait3A_53 = tpu.memref_slice %arg3[%dma_wait3A_50, %dma_wait3A_51, %dma_wait3A_52] : memref<100x513x256xf32, #tpu.memory_space<hbm>> -> memref<20x513x256xf32, #tpu.memory_space<hbm>>
    tpu.wait_dma2 semaphore(%arg6 : memref<!tpu.dma_semaphore, #tpu.memory_space<semaphore_mem>>) src(%arg5 : memref<20x513x256xf32, #tpu.memory_space<vmem>>) dst(%dma_wait3A_53 : memref<20x513x256xf32, #tpu.memory_space<hbm>>)
    %dma_wait3A_54 = arith.constant 20 : i32
    %dma_wait3A_55 = arith.constant 0 : i32
    %dma_wait3A_56 = arith.constant 0 : i32
    %dma_wait3A_57 = tpu.memref_slice %arg4[%dma_wait3A_54, %dma_wait3A_55, %dma_wait3A_56] : memref<100x513x256xf32, #tpu.memory_space<hbm>> -> memref<20x513x256xf32, #tpu.memory_space<hbm>>
    tpu.wait_dma2 semaphore(%arg7 : memref<!tpu.dma_semaphore, #tpu.memory_space<semaphore_mem>>) src(%arg5 : memref<20x513x256xf32, #tpu.memory_space<vmem>>) dst(%dma_wait3A_57 : memref<20x513x256xf32, #tpu.memory_space<hbm>>)
    %dma_wait3A_58 = arith.constant 40 : i32
    %dma_wait3A_59 = arith.constant 0 : i32
    %dma_wait3A_60 = arith.constant 0 : i32
    %dma_wait3A_61 = tpu.memref_slice %arg3[%dma_wait3A_58, %dma_wait3A_59, %dma_wait3A_60] : memref<100x513x256xf32, #tpu.memory_space<hbm>> -> memref<20x513x256xf32, #tpu.memory_space<hbm>>
    tpu.wait_dma2 semaphore(%arg6 : memref<!tpu.dma_semaphore, #tpu.memory_space<semaphore_mem>>) src(%arg5 : memref<20x513x256xf32, #tpu.memory_space<vmem>>) dst(%dma_wait3A_61 : memref<20x513x256xf32, #tpu.memory_space<hbm>>)
    %dma_wait3A_62 = arith.constant 40 : i32
    %dma_wait3A_63 = arith.constant 0 : i32
    %dma_wait3A_64 = arith.constant 0 : i32
    %dma_wait3A_65 = tpu.memref_slice %arg4[%dma_wait3A_62, %dma_wait3A_63, %dma_wait3A_64] : memref<100x513x256xf32, #tpu.memory_space<hbm>> -> memref<20x513x256xf32, #tpu.memory_space<hbm>>
    tpu.wait_dma2 semaphore(%arg7 : memref<!tpu.dma_semaphore, #tpu.memory_space<semaphore_mem>>) src(%arg5 : memref<20x513x256xf32, #tpu.memory_space<vmem>>) dst(%dma_wait3A_65 : memref<20x513x256xf32, #tpu.memory_space<hbm>>)
    %dma_wait3A_66 = arith.constant 60 : i32
    %dma_wait3A_67 = arith.constant 0 : i32
    %dma_wait3A_68 = arith.constant 0 : i32
    %dma_wait3A_69 = tpu.memref_slice %arg3[%dma_wait3A_66, %dma_wait3A_67, %dma_wait3A_68] : memref<100x513x256xf32, #tpu.memory_space<hbm>> -> memref<20x513x256xf32, #tpu.memory_space<hbm>>
    tpu.wait_dma2 semaphore(%arg6 : memref<!tpu.dma_semaphore, #tpu.memory_space<semaphore_mem>>) src(%arg5 : memref<20x513x256xf32, #tpu.memory_space<vmem>>) dst(%dma_wait3A_69 : memref<20x513x256xf32, #tpu.memory_space<hbm>>)
    %dma_wait3A_70 = arith.constant 60 : i32
    %dma_wait3A_71 = arith.constant 0 : i32
    %dma_wait3A_72 = arith.constant 0 : i32
    %dma_wait3A_73 = tpu.memref_slice %arg4[%dma_wait3A_70, %dma_wait3A_71, %dma_wait3A_72] : memref<100x513x256xf32, #tpu.memory_space<hbm>> -> memref<20x513x256xf32, #tpu.memory_space<hbm>>
    tpu.wait_dma2 semaphore(%arg7 : memref<!tpu.dma_semaphore, #tpu.memory_space<semaphore_mem>>) src(%arg5 : memref<20x513x256xf32, #tpu.memory_space<vmem>>) dst(%dma_wait3A_73 : memref<20x513x256xf32, #tpu.memory_space<hbm>>)
    %dma_wait3A_74 = arith.constant 80 : i32
    %dma_wait3A_75 = arith.constant 0 : i32
    %dma_wait3A_76 = arith.constant 0 : i32
    %dma_wait3A_77 = tpu.memref_slice %arg3[%dma_wait3A_74, %dma_wait3A_75, %dma_wait3A_76] : memref<100x513x256xf32, #tpu.memory_space<hbm>> -> memref<20x513x256xf32, #tpu.memory_space<hbm>>
    tpu.wait_dma2 semaphore(%arg6 : memref<!tpu.dma_semaphore, #tpu.memory_space<semaphore_mem>>) src(%arg5 : memref<20x513x256xf32, #tpu.memory_space<vmem>>) dst(%dma_wait3A_77 : memref<20x513x256xf32, #tpu.memory_space<hbm>>)
    %dma_wait3A_78 = arith.constant 80 : i32
    %dma_wait3A_79 = arith.constant 0 : i32
    %dma_wait3A_80 = arith.constant 0 : i32
    %dma_wait3A_81 = tpu.memref_slice %arg4[%dma_wait3A_78, %dma_wait3A_79, %dma_wait3A_80] : memref<100x513x256xf32, #tpu.memory_space<hbm>> -> memref<20x513x256xf32, #tpu.memory_space<hbm>>
    tpu.wait_dma2 semaphore(%arg7 : memref<!tpu.dma_semaphore, #tpu.memory_space<semaphore_mem>>) src(%arg5 : memref<20x513x256xf32, #tpu.memory_space<vmem>>) dst(%dma_wait3A_81 : memref<20x513x256xf32, #tpu.memory_space<hbm>>)
    %get3A = arith.constant 0 : index
    %get3A_82 = memref.load %arg0[%get3A] : memref<1xi32, #tpu.memory_space<smem>>
    %dma_start3A_83 = arith.constant 0 : i32
    %dma_start3A_84 = arith.constant 0 : i32
    %dma_start3A_85 = tpu.memref_slice %arg3[%get3A_82, %dma_start3A_83, %dma_start3A_84] : memref<100x513x256xf32, #tpu.memory_space<hbm>> -> memref<1x513x256xf32, #tpu.memory_space<hbm>>
    tpu.enqueue_dma source(%arg1 : memref<1x513x256xf32, #tpu.memory_space<vmem>>) target(%dma_start3A_85 : memref<1x513x256xf32, #tpu.memory_space<hbm>>) target_semaphore(%arg8 : memref<!tpu.dma_semaphore, #tpu.memory_space<semaphore_mem>>)
    %dma_start3A_86 = arith.constant 0 : i32
    %dma_start3A_87 = arith.constant 0 : i32
    %dma_start3A_88 = tpu.memref_slice %arg4[%get3A_82, %dma_start3A_86, %dma_start3A_87] : memref<100x513x256xf32, #tpu.memory_space<hbm>> -> memref<1x513x256xf32, #tpu.memory_space<hbm>>
    tpu.enqueue_dma source(%arg2 : memref<1x513x256xf32, #tpu.memory_space<vmem>>) target(%dma_start3A_88 : memref<1x513x256xf32, #tpu.memory_space<hbm>>) target_semaphore(%arg8 : memref<!tpu.dma_semaphore, #tpu.memory_space<semaphore_mem>>)
    %dma_wait3A_89 = arith.constant 0 : i32
    %dma_wait3A_90 = arith.constant 0 : i32
    %dma_wait3A_91 = tpu.memref_slice %arg3[%get3A_82, %dma_wait3A_89, %dma_wait3A_90] : memref<100x513x256xf32, #tpu.memory_space<hbm>> -> memref<1x513x256xf32, #tpu.memory_space<hbm>>
    tpu.wait_dma2 semaphore(%arg8 : memref<!tpu.dma_semaphore, #tpu.memory_space<semaphore_mem>>) src(%arg1 : memref<1x513x256xf32, #tpu.memory_space<vmem>>) dst(%dma_wait3A_91 : memref<1x513x256xf32, #tpu.memory_space<hbm>>)
    %dma_wait3A_92 = arith.constant 0 : i32
    %dma_wait3A_93 = arith.constant 0 : i32
    %dma_wait3A_94 = tpu.memref_slice %arg4[%get3A_82, %dma_wait3A_92, %dma_wait3A_93] : memref<100x513x256xf32, #tpu.memory_space<hbm>> -> memref<1x513x256xf32, #tpu.memory_space<hbm>>
    tpu.wait_dma2 semaphore(%arg8 : memref<!tpu.dma_semaphore, #tpu.memory_space<semaphore_mem>>) src(%arg2 : memref<1x513x256xf32, #tpu.memory_space<vmem>>) dst(%dma_wait3A_94 : memref<1x513x256xf32, #tpu.memory_space<hbm>>)
    return
  }
}

</mosaic_0001>

<sc_bundles>
// kernel: kernel.5.cloned.1.call-start
scs
__scs_entry_jumppad:
0x0: {  	(pc) =	sbr.rel $0x88, $3  }
0x1: {  	(tag) =	ssettag $0x0;
	lr =	simm.s32 $0x1  }
0x2: {  	[smem:$0x3F9E] =	sst lr;
	_ =	strace $0xD0000000  }
0x3: {  	_ = 	snop  }
0x4: {  	_ = 	snop  }
0x5: {  	_ = 	snop  }
0x6: {  	_ = 	snop  }
0x7: {  	_ = 	snop  }
__scs_overlays_trampoline_lowered:
0x8: {  	[smem:$0x3FAD] =	sst s0  }
0x9: {  	[smem:$0x3FAE] =	sst s1  }
0xa: {  	[smem:$0x3FAF] =	sst s2  }
0xb: {  	[smem:$0x3FB0] =	sst s3  }
0xc: {  	[smem:$0x3FB1] =	sst s4  }
0xd: {  	[smem:$0x3FB2] =	sst s5  }
0xe: {  	[smem:$0x3FB3] =	sst s6  }
0xf: {  	[smem:$0x3FB4] =	sst s7  }
0x10: {  	[smem:$0x3FB5] =	sst s8  }
0x11: {  	[smem:$0x3FB6] =	sst s9;
	s0 =	simm.s32 @!p0 $0x0  }
0x12: {  	s1 =	sld [smem:$0x3F9C];
	s0 =	simm.s32 @p0 $0x1  }
0x13: {  	[smem:$0x3FB7] =	sst s0;
	s0 =	simm.s32 @!p1 $0x0  }
0x14: {  	s2 =	sld [smem:$0x3F9B];
	s0 =	simm.s32 @p1 $0x1  }
0x15: {  	[smem:$0x3FB8] =	sst s0;
	s0 =	simm.s32 @!p2 $0x0  }
0x16: {  	s3 =	sld [smem:$0x3FDB];
	s0 =	simm.s32 @p2 $0x1  }
0x17: {  	s4 =	simm.s32 $0x1BF5;
	[smem:$0x3FBA] =	sst s0  }
0x18: {  	s0 =	sld [smem:$0x3F9D];
	_ =	swait.ge [sflag:s4], $0x0  }
0x19: {  	s7 =	sld [smem:$0x3F9E]  }
0x1a: {  	s8 =	sadd.s32 $0xFFFFE003, lr  }
0x1b: {  	s9 =	sadd.s32 $0xFFFFFEF7, lr;
	s5 =	simm.s32 $0xFFFFFFFF;
	p2 =	slt.u32 s8, $0xFFFFF086  }
0x1c: {  	p1 =	slt.u32 s9, $0xF7A;
	s5 =	simm.s32 @!p2 $0x0  }
0x1d: {  	s5 =	simm.s32 @p1 $0x1;
	p0 =	seq.s32 s7, s2  }
0x1e: {  	s7 =	smul.u32 @!p0 $0xF7A, s2;
	p2 =	seq.s32 @!p0 s5, $0x0  }
0x1f: {  	s9 =	smul.u32 $0xF7A, s1;
	s8 =	simm.s32 @!p0 $0x1BF5;
	p2 =	por !p2, p0  }
0x20: {  	[sflag:s8] =	ssyncset.s32 @!p0 $0xFFFFF086;
	s6 =	sadd.s32 @!p0 s3, s7;
	s7 =	simm.s32 @!p0 $0x108  }
0x21: {  	s3 =	sadd.s32 s3, s9;
	s6 =	sadd.s32 @!p0 $0x88, s6;
	s7 =	simm.s32 @p2 $0x1082  }
0x22: {  	[simem:s7], [sflag:s8] =	dma.local @!p0 [hbm:s6], $0xF7A  }
0x23: {  	s9 =	sor.u32 $0xD0000000, s2;
	s6 =	simm.s32 $0x108;
	_ =	swait.ge @!p0 [sflag:s8], $0x0  }
0x24: {  	s3 =	sadd.s32 $0x88, s3;
	s6 =	simm.s32 @!p1 $0x1082;
	[sflag:s4] =	ssyncset.s32 $0xFFFFF086  }
0x25: {  	[simem:s6], [sflag:s4] =	dma.local [hbm:s3], $0xF7A  }
0x26: {  	[smem:$0x3F9E] =	sst s1;
	(tag) =	ssettag s2;
	_ =	strace s9  }
0x27: {  	s1 =	sld [smem:$0x3FAE]  }
0x28: {  	s2 =	sld [smem:$0x3FAF]  }
0x29: {  	s4 =	sld [smem:$0x3FB1]  }
0x2a: {  	p0 =	seq.s32 s5, $0x0;
	s5 =	sld [smem:$0x3FB2]  }
0x2b: {  	s6 =	sld [smem:$0x3FB3]  }
0x2c: {  	s7 =	sld [smem:$0x3FB4]  }
0x2d: {  	s3 =	simm.s32 $0x108;
	s8 =	sld [smem:$0x3FB5]  }
0x2e: {  	s3 =	simm.s32 @!p0 $0x1082;
	s9 =	sld [smem:$0x3FB6]  }
0x2f: {  	lr =	sadd.s32 s0, s3;
	s0 =	sld [smem:$0x3FAD]  }
0x30: {  	s3 =	sld [smem:$0x3FB0]  }
0x31: {  	[smem:$0x3FB9] =	sst s10  }
0x32: {  	s10 =	sld [smem:$0x3FB7];
	_ =	sdelay $0x3  }
0x33: {  	p0 =	seq.s32 s10, $0x1;
	s10 =	sld [smem:$0x3FB9];
	_ =	sdelay $0x3  }
0x34: {  	[smem:$0x3FB9] =	sst s10  }
0x35: {  	s10 =	sld [smem:$0x3FB8];
	_ =	sdelay $0x3  }
0x36: {  	p1 =	seq.s32 s10, $0x1;
	s10 =	sld [smem:$0x3FB9];
	_ =	sdelay $0x3  }
0x37: {  	[smem:$0x3FB9] =	sst s10  }
0x38: {  	s10 =	sld [smem:$0x3FBA]  }
0x39: {  	_ = 	snop;
	(pc) =	sbr.ind lr, $3  }
0x3a: {  	_ = 	snop  }
0x3b: {  	_ = 	snop  }
0x3c: {  	p2 =	seq.s32 s10, $0x1;
	s10 =	sld [smem:$0x3FB9]  }
0x3d: {  	_ =	shalt  }
0x3e: {  	_ =	shalt  }
0x3f: {  	_ =	shalt  }
0x40: {  	_ =	shalt  }
0x41: {  	_ =	shalt  }
0x42: {  	_ =	shalt  }
0x43: {  	_ =	shalt  }
0x44: {  	_ =	shalt  }
0x45: {  	_ =	shalt  }
0x46: {  	_ =	shalt  }
0x47: {  	_ =	shalt  }
0x48: {  	_ =	shalt  }
0x49: {  	_ =	shalt  }
0x4a: {  	_ =	shalt  }
0x4b: {  	_ =	shalt  }
0x4c: {  	_ =	shalt  }
0x4d: {  	_ =	shalt  }
0x4e: {  	_ =	shalt  }
0x4f: {  	_ =	shalt  }
0x50: {  	_ =	shalt  }
0x51: {  	_ =	shalt  }
0x52: {  	_ =	shalt  }
0x53: {  	_ =	shalt  }
0x54: {  	_ =	shalt  }
0x55: {  	_ =	shalt  }
0x56: {  	_ =	shalt  }
0x57: {  	_ =	shalt  }
0x58: {  	_ =	shalt  }
0x59: {  	_ =	shalt  }
0x5a: {  	_ =	shalt  }
0x5b: {  	_ =	shalt  }
0x5c: {  	_ =	shalt  }
0x5d: {  	_ =	shalt  }
0x5e: {  	_ =	shalt  }
0x5f: {  	_ =	shalt  }
0x60: {  	_ =	shalt  }
0x61: {  	_ =	shalt  }
0x62: {  	_ =	shalt  }
0x63: {  	_ =	shalt  }
0x64: {  	_ =	shalt  }
0x65: {  	_ =	shalt  }
0x66: {  	_ =	shalt  }
0x67: {  	_ =	shalt  }
0x68: {  	_ =	shalt  }
0x69: {  	_ =	shalt  }
0x6a: {  	_ =	shalt  }
0x6b: {  	_ =	shalt  }
0x6c: {  	_ =	shalt  }
0x6d: {  	_ =	shalt  }
0x6e: {  	_ =	shalt  }
0x6f: {  	_ =	shalt  }
0x70: {  	_ =	shalt  }
0x71: {  	_ =	shalt  }
0x72: {  	_ =	shalt  }
0x73: {  	_ =	shalt  }
0x74: {  	_ =	shalt  }
0x75: {  	_ =	shalt  }
0x76: {  	_ =	shalt  }
0x77: {  	_ =	shalt  }
0x78: {  	_ =	shalt  }
0x79: {  	_ =	shalt  }
0x7a: {  	_ =	shalt  }
0x7b: {  	_ =	shalt  }
0x7c: {  	_ =	shalt  }
0x7d: {  	_ =	shalt  }
0x7e: {  	_ =	shalt  }
0x7f: {  	_ =	shalt  }
0x80: {  	_ =	shalt  }
0x81: {  	_ =	shalt  }
0x82: {  	_ =	shalt  }
0x83: {  	_ =	shalt  }
0x84: {  	_ =	shalt  }
0x85: {  	_ =	shalt  }
0x86: {  	_ =	shalt  }
0x87: {  	_ =	shalt  }
.Lfunc_end0:
.L_simem_size_0:
called_computation_lowered:
.L_overlay_start_0:
0x88: {  	s2 =	sld [smem:$0x3FD9]  }
0x89: {  	s3 =	sld [smem:$0x3FFE];
	_ =	sdelay $0x1  }
0x8a: {  	s1 =	srdreg.scid  }
0x8b: {  	s0 =	sand.u32 $0x1, s1  }
0x8c: {  	s14 =	sshll.u32 s0, $0xA;
	s2 =	sadd.s32 s3, s2  }
0x8d: {  	s2 =	sadd.s32 s2, s14  }
0x8e: {  	[smem:$0x3FC5] =	sst s2  }
0x8f: {  	_ = 	snop  }
0x90: {  	s2 =	sld [smem:$0x3FD0];
	_ =	sdelay $0x2  }
0x91: {  	s15 =	simm.s32 $0xA;
	s4 =	simm.s32 $0x10  }
0x92: {  	[smem:s4], [sflag:s15] =	dma.local [hbm:s2], $0x1  }
0x93: {  	_ =	swait.eq [sflag:s15], $0x1  }
0x94: {  	[sflag:s15] =	ssyncset.done $0x0  }
0x95: {  	[sflag:s15] =	ssyncadd.s32 $0xFFFFFFFF  }
0x96: {  	s16 =	sld [smem:$0x15];
	(tm) =	ssettm $0x1  }
0x97: {  	s17 =	sld [smem:$0x3FFB];
	_ =	sdelay $0x3  }
0x98: {  	_ =	strace s17  }
0x99: {  	s3 =	sld [smem:$0x3FFC];
	_ =	sdelay $0x3  }
0x9a: {  	_ =	strace s3  }
0x9b: {  	s3 =	sld [smem:$0x3FFD];
	_ =	sdelay $0x3  }
0x9c: {  	_ =	strace s3  }
0x9d: {  	_ =	strace $0x8FFFFFFF  }
0x9e: {  	s18 =	sld [smem:$0x3FDB];
	_ =	sdelay $0x1  }
0x9f: {  	s19 =	simm.s32 $_scs_section_size  }
0xa0: {  	s5 =	simm.s32 $_size__tile_overlayer_lowered;
	s6 =	simm.s32 $_tile_overlayer_lowered  }
0xa1: {  	s22 =	simm.s32 $0x1BFF;
	s21 =	sshll.u32 s6, $0x1;
	s3 =	sadd.s32 s19, s18  }
0xa2: {  	s7 =	simm.s32 $0x0;
	s20 =	sshll.u32 s5, $0x1;
	s5 =	sadd.s32 s21, s3  }
0xa3: {  	[timem:s7], [sflag:s22] =	dma.local [hbm:s5], s20  }
0xa4: {  	_ =	swait.ge [sflag:s22], s20  }
0xa5: {  	s4 =	ssub.s32 $0x0, s20;
	[sflag:s22] =	ssyncset.done $0x0  }
0xa6: {  	[sflag:s22] =	ssyncadd.s32 s4;
	_ =	sdelay $0x1  }
0xa7: {  	s23 =	simm.s32 $0x1B8B  }
0xa8: {  	_ =	swait.ge [sflag:s23], $0x1  }
0xa9: {  	[sflag:s23] =	ssyncset.done $0x0  }
0xaa: {  	s25 =	simm.s32 $0x1B8E;
	s24 =	sld [smem:$0x3FFE];
	[sflag:s23] =	ssyncadd.s32 $0xFFFFFFFF  }
0xab: {  	s26 =	simm.s32 $execute0_lowered;
	[smem:$0x3FD2] =	sst s25  }
0xac: {  	s5 =	sshll.u32 s26, $0x1;
	_ =	strace $0x80000046;
	[dreg:$0x1] =	wrdreg $0xFFFFFFFF  }
0xad: {  	s28 =	simm.s32 $_size_execute0_lowered;
	s3 =	sadd.s32 s3, s5;
	[dreg:$0x0] =	wrdreg $0x0  }
0xae: {  	s5 =	sshll.u32 s28, $0x1;
	[dreg:$0x2] =	wrdreg s3  }
0xaf: {  	[dreg:$0x3] =	wrdreg s5  }
0xb0: {  	[dreg:$0x4] =	wrdreg $0xC0  }
0xb1: {  	_ =	task [dreg:s7], $0x5FFFF  }
0xb2: {  	[dreg:$0x1] =	wrdreg $0xFFFFFFFF  }
0xb3: {  	[dreg:$0x0] =	wrdreg $0x60  }
0xb4: {  	[dreg:$0x2] =	wrdreg s24  }
0xb5: {  	[dreg:$0x3] =	wrdreg s16  }
0xb6: {  	[dreg:$0x4] =	wrdreg $0x0  }
0xb7: {  	[dreg:$0x5] =	wrdreg $0x20100  }
0xb8: {  	[dreg:$0x6] =	wrdreg $0x9  }
0xb9: {  	_ =	task.clear_ibuf [dreg:s7], $0x7FFFF;
	_ =	strace $0x90000046  }
0xba: {  	s29 =	simm.s32 $0x9;
	_ =	strace $0x80000048  }
0xbb: {  	_ =	swait.ge [sflag:s29], $0x1  }
0xbc: {  	[sflag:s29] =	ssyncadd.s32 $0xFFFFFFFF  }
0xbd: {  	_ =	strace $0x90000048  }
0xbe: {  	_ =	sfence  }
0xbf: {  	s30 =	sld [smem:$0x0];
	_ =	sdelay $0x2  }
0xc0: {  	s31 =	sshll.u32 s1, $0xD;
	s1 =	sshrl.u32 s1, $0x2  }
0xc1: {  	s3 =	sand.u32 $0x4000, s31;
	s1 =	sadd.s32 s1, s30  }
0xc2: {  	s0 =	sor.u32 s3, s0;
	s1 =	sshll.u32 s1, $0x11  }
0xc3: {  	s0 =	sor.u32 s1, s0  }
0xc4: {  	s0 =	sadd.s32 $0x8F2B, s0  }
0xc5: {  	[sflag:s0] =	ssyncadd.remote.s32 $0x1  }
0xc6: {  	_ =	sfence.sel $0xFFFF  }
0xc7: {  	[dreg:$0x0] =	wrdreg $0xFFFFFFFF;
	(pc) =	sbr.abs _section_cstart, $3  }
0xc8: {  	[dreg:$0x1] =	wrdreg $0xFFFFFFFF  }
0xc9: {  	_ =	task.clear_ibuf [dreg:s7], $0x2FFFF;
	_ =	strace $0x9FFFFFFF  }
0xca: {  	(tm) =	ssettm $0x7FFFFFFF  }
0xcb: {  	_ =	shalt  }
tec
execute0_lowered:
.L_overlay_start_1:
0x0: {  	(tag) =	ssettag $0x1  }
0x1: {  	s8 =	rddreg [dreg:$0x0]  }
0x2: {  	s1 =	rddreg [dreg:$0x1]  }
0x3: {  	s2 =	rddreg [dreg:$0x2]  }
0x4: {  	s24 =	rddreg [dreg:$0x3]  }
0x5: {  	s0 =	rddreg [dreg:$0x4];
	s3 =	simm.s32 $0x0;
	s5 =	srdreg.scid  }
0x6: {  	s23 =	stileid.u32;
	s18 =	simm.s32 $0x4020;
	s19 =	simm.s32 $0x3  }
0x7: {  	s22 =	simm.s32 $0x1;
	[smem:$0x7FF] =	sst s3;
	s4 =	sadd.s32 $0x5600, s8  }
0x8: {  	s10 =	sand.u32 $0x1, s5;
	s7 =	sshll.u32 s23, $0x1;
	s5 =	sadd.s32 $0x5800, s8  }
0x9: {  	s6 =	sadd.s32 $0x1400, s8;
	s8 =	sadd.s32 $0x9A00, s8;
	p0 =	sne.s32 s23, $0x0  }
0xa: {  	s20 =	sshll.u32 s23, $0x6;
	s21 =	sshrl.u32 s2, $0x3;
	p2 =	sgt.u32 s23, $0x1  }
0xb: {  	_ =	strace $0x80000047;
	s7 =	sor.u32 s10, s7;
	s13 =	ssub.s32 $0x2, s10  }
0xc: {  	s20 =	sor.u32 $0x1C01, s20;
	s12 =	smul.u32 $0x4100, s7;
	s9 =	sor.u32 $0x20, s7  }
0xd: {  	s10 =	sor.u32 $0x40, s7;
	s15 =	sshrl.u32 s13, $0x1;
	s14 =	smul.u32 $0x4100, s9  }
0xe: {  	s11 =	sor.u32 $0x60, s7;
	p1 =	sne.s32 s7, $0x1;
	s16 =	smul.u32 $0x4100, s10  }
0xf: {  	s17 =	ssub.s32 s13, s15;
	s31 =	smul.u32 $0x4100, s11;
	s25 =	sshll.u32 @!p1 s23, $0x6  }
0x10: {  	s24 =	sshrl.u32 @!p1 s24, $0x3;
	s12 =	sadd.s32 s1, s12;
	s23 =	sor.u32 @!p1 $0x1C03, s25  }
0x11: {  	s25 =	sor.u32 @!p1 $0x1C02, s25;
	s13 =	sadd.s32 s1, s14;
	s14 =	sadd.s32 s1, s16  }
0x12: {  	s15 =	sadd.s32 s1, s31;
	s16 =	smax.u32 s17, $0x1;
	s17 =	sshrl.u32 @!p0 s2, $0x3  }
.LBB2_1:
0x13: {  	s26 =	simm.s32 @!p0 $0x1C03  }
0x14: {  	[spmem:s17], [sflag:s26] =	dma.local @!p0 [hbm:s5], $0x4100  }
0x15: {  	s26 =	simm.s32 @!p0 $0x3  }
0x16: {  	_ =	swait.ge @!p0 [sflag:s26], $0x4100  }
0x17: {  	[sflag:s26] =	ssyncset.done @!p0 $0x0  }
0x18: {  	[sflag:s26] =	ssyncadd.s32 @!p0 $0xFFFFBF00  }
0x19: {  	[bflag:$0x0] =	sbarrier.arrive $0xFFFF  }
0x1a: {  	[tilespmem:s18], [sflag:$0x3] =	stream.linear.gather [hbm4b:s4+s3], $0x80, $0x38;
	[tilespmem:$0x40A0] =	vst v63  }
0x1b: {  	_ =	swait.ge [sflag:s19], $0x80  }
0x1c: {  	[sflag:s19] =	ssyncset.done $0x0  }
0x1d: {  	[sflag:s19] =	ssyncadd.s32 $0xFFFFFF80  }
0x1e: {  	v0 =	vld [tilespmem:$0x4020];
	_ =	sdelay $0x4  }
0x1f: {  	(v2sf) =	vpush v0, $0x0;
	_ =	sdelay $0xe  }
0x20: {  	s26 =	spop (v2sf)  }
0x21: {  	s28 =	smov.u32 s12;
	p3 =	seq.s32 s7, s26  }
0x22: {  	s28 =	smov.u32 @p3 s8  }
0x23: {  	[hbm:s28], [sflag:s20] =	dma.local [spmem:s21], $0x4100  }
0x24: {  	p3 =	seq.s32 s9, s26;
	s28 =	smov.u32 s13  }
0x25: {  	s28 =	smov.u32 @p3 s8  }
0x26: {  	[hbm:s28], [sflag:s20] =	dma.local [spmem:s21], $0x4100  }
0x27: {  	p3 =	seq.s32 s10, s26;
	s28 =	smov.u32 s14  }
0x28: {  	s28 =	smov.u32 @p3 s8;
	p3 =	seq.s32 @!p2 s11, s26  }
0x29: {  	[hbm:s28], [sflag:s20] =	dma.local [spmem:s21], $0x4100  }
0x2a: {  	p3 =	por p3, p2  }
0x2b: {  	s28 =	sshrl.u32 @!p3 s2, $0x3  }
0x2c: {  	[hbm:s15], [sflag:s20] =	dma.local @!p3 [spmem:s28], $0x4100  }
0x2d: {  	p3 =	sne.s32 @!p2 s11, s26  }
0x2e: {  	p3 =	por p2, !p3  }
0x2f: {  	[hbm:s8], [sflag:s20] =	dma.local @p3 [spmem:s21], $0x4100  }
0x30: {  	_ =	swait.ge [sflag:s22], $0x4100  }
0x31: {  	[sflag:s22] =	ssyncset.done $0x0  }
0x32: {  	[sflag:s22] =	ssyncadd.s32 $0xFFFFBF00  }
0x33: {  	_ =	swait.ge [sflag:s22], $0x4100  }
0x34: {  	[sflag:s22] =	ssyncset.done $0x0  }
0x35: {  	[sflag:s22] =	ssyncadd.s32 $0xFFFFBF00  }
0x36: {  	_ =	swait.ge [sflag:s22], $0x4100  }
0x37: {  	[sflag:s22] =	ssyncset.done $0x0  }
0x38: {  	[sflag:s22] =	ssyncadd.s32 $0xFFFFBF00  }
0x39: {  	_ =	swait.ge [sflag:s22], $0x4100  }
0x3a: {  	[sflag:s22] =	ssyncset.done $0x0  }
0x3b: {  	[sflag:s22] =	ssyncadd.s32 $0xFFFFBF00  }
0x3c: {  	s28 =	simm.s32 @!p1 $0x3;
	s26 =	smul.u32 @!p1 $0x20800, s26;
	[bflag:$0x0] =	sbarrier.arrive $0xFFFF  }
0x3d: {  	[spmem:s24], [sflag:s23] =	dma.local @!p1 [hbm:s6], $0x4100  }
0x3e: {  	_ =	swait.ge @!p1 [sflag:s28], $0x4100  }
0x3f: {  	s16 =	sadd.s32 $0xFFFFFFFF, s16;
	s26 =	sshrl.u32 @!p1 s26, $0x3;
	[sflag:s28] =	ssyncset.done @!p1 $0x0  }
0x40: {  	p3 =	sne.s32 s16, $0x0;
	s26 =	sadd.s32 @!p1 s1, s26;
	[sflag:s28] =	ssyncadd.s32 @!p1 $0xFFFFBF00  }
0x41: {  	[hbm:s26], [sflag:s25] =	dma.local @!p1 [spmem:s24], $0x4100  }
.Ltmp0:
0x42: {  	_ = 	snop;
	(pc) =	sbr.rel @p3 .LBB2_1-.Ltmp0, $4  }
0x43: {  	s26 =	simm.s32 @!p1 $0x2  }
0x44: {  	_ =	swait.ge @!p1 [sflag:s26], $0x4100  }
0x45: {  	[sflag:s26] =	ssyncset.done @!p1 $0x0  }
0x46: {  	[sflag:s26] =	ssyncadd.s32 @!p1 $0xFFFFBF00  }
0x47: {  	_ =	sfence.sel $0x180000  }
0x48: {  	[bflag:$0x0] =	sbarrier.arrive $0xFFFF  }
0x49: {  	_ =	strace $0x90000047  }
0x4a: {  	s0 =	sadd.s32 @!p0 $0x100000, s0;
	[bflag:$0x2] =	sbarrier.arrive $0xFFFF  }
0x4b: {  	[sflag:s0] =	ssyncadd.tile.s32 @!p0 $0x1;
	_ =	shalt  }
.Lfunc_end2:
_tile_overlayer_lowered:
.L_overlay_start_2:
0x4c: {  	(tag) =	ssettag $0x2  }
0x4d: {  	s0 =	rddreg [dreg:$0x0];
	s2 =	stileid.u32  }
0x4e: {  	s1 =	rddreg [dreg:$0x1];
	p0 =	sne.s32 s2, $0x0  }
0x4f: {  	s3 =	rddreg [dreg:$0x2];
	[bflag:$0x3] =	sbarrier.arrive $0xFFFF;
	s2 =	simm.s32 @!p0 $0x1C03  }
0x50: {  	[timem:s3], [sflag:s2] =	dma.local @!p0 [hbm:s0], s1  }
0x51: {  	s0 =	simm.s32 @!p0 $0x3  }
0x52: {  	_ =	swait.ge @!p0 [sflag:s0], s1  }
0x53: {  	s1 =	ssub.s32 @!p0 $0x0, s1;
	[sflag:s0] =	ssyncset.done @!p0 $0x0  }
0x54: {  	[sflag:s0] =	ssyncadd.s32 @!p0 s1  }
0x55: {  	[bflag:$0x3] =	sbarrier.arrive $0xFFFF  }
0x56: {  	_ =	shalt  }

</sc_bundles>
